<compile_context>
chip_gen: v7x
topology: tpu7x:2x2x1
jax: 0.10.2.dev20260603
libtpu: 0.0.44.dev20260713+nightly
codegen_flags: <defaults>
</compile_context>

<pallas_src>
import jax
import jax.numpy as jnp
from jax import lax
from jax.experimental import pallas as pl
from jax.experimental.pallas import tpu as pltpu
from jax.experimental.pallas import tpu_sc as plsc

_SLOT_ROWS = (64, 56)


def _chunk_schedule(rows_per_w):
    sched = []
    off = 0
    i = 0
    while off < rows_per_w:
        slot = i % 2
        sz = min(_SLOT_ROWS[slot], rows_per_w - off)
        sched.append((off, sz, slot))
        off += sz
        i += 1
    return sched


def _make_sc_kernel(B, S, H, dtype):
    info = plsc.get_sparse_core_info()
    NC, NS = info.num_cores, info.num_subcores
    NW = NC * NS
    rows_per_w = S // NW
    sched = _chunk_schedule(rows_per_w)
    n = len(sched)
    mesh = plsc.VectorSubcoreMesh(core_axis_name="c", subcore_axis_name="s")

    def body(pos_hbm, out_hbm, vbuf_a, vbuf_b, in_sem, out_sem):
        bufs = (vbuf_a, vbuf_b)
        wid = lax.axis_index("c") * NS + lax.axis_index("s")
        base = wid * rows_per_w

        def in_cp(i):
            off, sz, slot = sched[i]
            return pltpu.make_async_copy(
                pos_hbm.at[pl.ds(base + off, sz), :],
                bufs[slot].at[pl.ds(0, sz), :],
                in_sem.at[slot],
            )

        def out_cp(i, b):
            off, sz, slot = sched[i]
            return pltpu.make_async_copy(
                bufs[slot].at[pl.ds(0, sz), :],
                out_hbm.at[b, pl.ds(base + off, sz), :],
                out_sem.at[slot],
            )

        in_cp(0).start()
        for i in range(n):
            in_cp(i).wait()
            if i + 1 < n:
                if i >= 1:
                    for b in range(B):
                        out_cp(i - 1, b).wait()
                in_cp(i + 1).start()
            for b in range(B):
                out_cp(i, b).start()
        for i in (n - 2, n - 1):
            for b in range(B):
                out_cp(i, b).wait()

    return pl.kernel(
        body,
        out_type=jax.ShapeDtypeStruct((B, S, H), dtype),
        mesh=mesh,
        scratch_types=[
            pltpu.VMEM((_SLOT_ROWS[0], H), dtype),
            pltpu.VMEM((_SLOT_ROWS[1], H), dtype),
            pltpu.SemaphoreType.DMA((2,)),
            pltpu.SemaphoreType.DMA((2,)),
        ],
    )


def kernel(x, pos_emb):
    B, S = x.shape
    N, H = pos_emb.shape
    return _make_sc_kernel(B, S, H, pos_emb.dtype)(pos_emb)

# --- scband reference (transcript-rebuilt; emitter-appended) ---
"""Pipeline reference for scband-position-embedder-13915694039341 (READ-ONLY COPY).

The authoritative reference and input builder live on the scoring server;
editing this copy changes nothing except your own understanding.
"""

import jax, jax.numpy as jnp
import numpy as np

NUM_POSITIONS = 8192
HIDDEN_DIM = 1024
BATCH = 4
SEQ_LEN = 8192


def setup_inputs(seed: int = 0) -> dict:
    key = jax.random.key(seed)
    k1, k2 = jax.random.split(key)
    x = jax.random.normal(k1, (BATCH, SEQ_LEN), dtype=jnp.float32)
    # nn.Embedding default init: N(0, 1)
    pos_emb = jax.random.normal(k2, (NUM_POSITIONS, HIDDEN_DIM), dtype=jnp.float32)
    return {"x": x, "pos_emb": pos_emb}


def reference(x, pos_emb):
    B, S = x.shape
    positions = jnp.broadcast_to(jnp.arange(S, dtype=jnp.int32), (B, S))
    out = jnp.take(pos_emb, positions, axis=0)
    return out

if __name__ == "__main__":
    import jax
    _d = setup_inputs()
    print(jax.jit(kernel)(*tuple(_d.values())))

</pallas_src>

<mosaic_0001>
#map = affine_map<(d0, d1) -> (0, 0)>
#map1 = affine_map<(d0, d1) -> (0, 0, 0)>
module attributes {stable_mosaic.version = 14 : i64} {
  func.func @body(%arg0: i32, %arg1: i32, %arg2: memref<8192x1024xf32, #tpu.memory_space<hbm>>, %arg3: memref<4x8192x1024xf32, #tpu.memory_space<hbm>>, %arg4: memref<64x1024xf32, #tpu.memory_space<vmem>>, %arg5: memref<56x1024xf32, #tpu.memory_space<vmem>>, %arg6: memref<2x!tpu.dma_semaphore, #tpu.memory_space<semaphore_mem>>, %arg7: memref<2x!tpu.dma_semaphore, #tpu.memory_space<semaphore_mem>>) attributes {dimension_semantics = [#tpu.dimension_semantics<core_parallel>, #tpu.dimension_semantics<subcore_parallel>], iteration_bounds = array<i64: 2, 16>, scalar_prefetch = 0 : i64, scratch_operands = 4 : i64, tpu.core_type = #tpu.core_type<sc_vector_subcore>, window_params = [{transform_indices = #map}, {transform_indices = #map1}]} {
    %mul3A = arith.constant 16 : i32
    %mul3A_0 = arith.muli %arg0, %mul3A : i32
    %add3A = arith.addi %mul3A_0, %arg1 : i32
    %mul3A_1 = arith.constant 256 : i32
    %mul3A_2 = arith.muli %add3A, %mul3A_1 : i32
    %add3A_3 = arith.constant 0 : i32
    %add3A_4 = arith.addi %mul3A_2, %add3A_3 : i32
    %dma_start3A = arith.constant 0 : i32
    %dma_start3A_5 = arith.constant 0 : i32
    %dma_start3A_6 = arith.constant 0 : i32
    %dma_start3A_7 = tpu.memref_slice %arg4[%dma_start3A_5, %dma_start3A_6] : memref<64x1024xf32, #tpu.memory_space<vmem>> -> memref<64x1024xf32, #tpu.memory_space<vmem>>
    %dma_start3A_8 = arith.constant 0 : i32
    %dma_start3A_9 = tpu.memref_slice %arg2[%add3A_4, %dma_start3A_8] : memref<8192x1024xf32, #tpu.memory_space<hbm>> -> memref<64x1024xf32, #tpu.memory_space<hbm>>
    %dma_start3A_10 = tpu.memref_slice %arg6[%dma_start3A] : memref<2x!tpu.dma_semaphore, #tpu.memory_space<semaphore_mem>> -> memref<1x!tpu.dma_semaphore, #tpu.memory_space<semaphore_mem>>
    %dma_start3A_11 = tpu.memref_squeeze %dma_start3A_10 : memref<1x!tpu.dma_semaphore, #tpu.memory_space<semaphore_mem>> -> memref<!tpu.dma_semaphore, #tpu.memory_space<semaphore_mem>>
    %dma_start3A_12 = arith.constant 0 : i32
    %dma_start3A_13 = arith.constant 0 : i32
    %dma_start3A_14 = tpu.memref_slice %arg4[%dma_start3A_12, %dma_start3A_13] : memref<64x1024xf32, #tpu.memory_space<vmem>> -> memref<64x1024xf32, #tpu.memory_space<vmem>>
    %dma_start3A_15 = arith.constant 0 : i32
    %dma_start3A_16 = tpu.memref_slice %arg2[%add3A_4, %dma_start3A_15] : memref<8192x1024xf32, #tpu.memory_space<hbm>> -> memref<64x1024xf32, #tpu.memory_space<hbm>>
    tpu.enqueue_dma source(%dma_start3A_16 : memref<64x1024xf32, #tpu.memory_space<hbm>>) target(%dma_start3A_14 : memref<64x1024xf32, #tpu.memory_space<vmem>>) target_semaphore(%dma_start3A_11 : memref<!tpu.dma_semaphore, #tpu.memory_space<semaphore_mem>>)
    %add3A_17 = arith.constant 0 : i32
    %add3A_18 = arith.addi %mul3A_2, %add3A_17 : i32
    %dma_wait3A = arith.constant 0 : i32
    %dma_wait3A_19 = arith.constant 0 : i32
    %dma_wait3A_20 = arith.constant 0 : i32
    %dma_wait3A_21 = tpu.memref_slice %arg4[%dma_wait3A_19, %dma_wait3A_20] : memref<64x1024xf32, #tpu.memory_space<vmem>> -> memref<64x1024xf32, #tpu.memory_space<vmem>>
    %dma_wait3A_22 = arith.constant 0 : i32
    %dma_wait3A_23 = tpu.memref_slice %arg2[%add3A_18, %dma_wait3A_22] : memref<8192x1024xf32, #tpu.memory_space<hbm>> -> memref<64x1024xf32, #tpu.memory_space<hbm>>
    %dma_wait3A_24 = tpu.memref_slice %arg6[%dma_wait3A] : memref<2x!tpu.dma_semaphore, #tpu.memory_space<semaphore_mem>> -> memref<1x!tpu.dma_semaphore, #tpu.memory_space<semaphore_mem>>
    %dma_wait3A_25 = tpu.memref_squeeze %dma_wait3A_24 : memref<1x!tpu.dma_semaphore, #tpu.memory_space<semaphore_mem>> -> memref<!tpu.dma_semaphore, #tpu.memory_space<semaphore_mem>>
    %dma_wait3A_26 = arith.constant 0 : i32
    %dma_wait3A_27 = arith.constant 0 : i32
    %dma_wait3A_28 = tpu.memref_slice %arg4[%dma_wait3A_26, %dma_wait3A_27] : memref<64x1024xf32, #tpu.memory_space<vmem>> -> memref<64x1024xf32, #tpu.memory_space<vmem>>
    %dma_wait3A_29 = arith.constant 0 : i32
    %dma_wait3A_30 = tpu.memref_slice %arg2[%add3A_18, %dma_wait3A_29] : memref<8192x1024xf32, #tpu.memory_space<hbm>> -> memref<64x1024xf32, #tpu.memory_space<hbm>>
    tpu.wait_dma2 semaphore(%dma_wait3A_25 : memref<!tpu.dma_semaphore, #tpu.memory_space<semaphore_mem>>) src(%dma_wait3A_30 : memref<64x1024xf32, #tpu.memory_space<hbm>>) dst(%dma_wait3A_28 : memref<64x1024xf32, #tpu.memory_space<vmem>>)
    %add3A_31 = arith.constant 64 : i32
    %add3A_32 = arith.addi %mul3A_2, %add3A_31 : i32
    %dma_start3A_33 = arith.constant 1 : i32
    %dma_start3A_34 = arith.constant 0 : i32
    %dma_start3A_35 = arith.constant 0 : i32
    %dma_start3A_36 = tpu.memref_slice %arg5[%dma_start3A_34, %dma_start3A_35] : memref<56x1024xf32, #tpu.memory_space<vmem>> -> memref<56x1024xf32, #tpu.memory_space<vmem>>
    %dma_start3A_37 = arith.constant 0 : i32
    %dma_start3A_38 = tpu.memref_slice %arg2[%add3A_32, %dma_start3A_37] : memref<8192x1024xf32, #tpu.memory_space<hbm>> -> memref<56x1024xf32, #tpu.memory_space<hbm>>
    %dma_start3A_39 = tpu.memref_slice %arg6[%dma_start3A_33] : memref<2x!tpu.dma_semaphore, #tpu.memory_space<semaphore_mem>> -> memref<1x!tpu.dma_semaphore, #tpu.memory_space<semaphore_mem>>
    %dma_start3A_40 = tpu.memref_squeeze %dma_start3A_39 : memref<1x!tpu.dma_semaphore, #tpu.memory_space<semaphore_mem>> -> memref<!tpu.dma_semaphore, #tpu.memory_space<semaphore_mem>>
    %dma_start3A_41 = arith.constant 0 : i32
    %dma_start3A_42 = arith.constant 0 : i32
    %dma_start3A_43 = tpu.memref_slice %arg5[%dma_start3A_41, %dma_start3A_42] : memref<56x1024xf32, #tpu.memory_space<vmem>> -> memref<56x1024xf32, #tpu.memory_space<vmem>>
    %dma_start3A_44 = arith.constant 0 : i32
    %dma_start3A_45 = tpu.memref_slice %arg2[%add3A_32, %dma_start3A_44] : memref<8192x1024xf32, #tpu.memory_space<hbm>> -> memref<56x1024xf32, #tpu.memory_space<hbm>>
    tpu.enqueue_dma source(%dma_start3A_45 : memref<56x1024xf32, #tpu.memory_space<hbm>>) target(%dma_start3A_43 : memref<56x1024xf32, #tpu.memory_space<vmem>>) target_semaphore(%dma_start3A_40 : memref<!tpu.dma_semaphore, #tpu.memory_space<semaphore_mem>>)
    %add3A_46 = arith.constant 0 : i32
    %add3A_47 = arith.addi %mul3A_2, %add3A_46 : i32
    %dma_start3A_48 = arith.constant 0 : i32
    %dma_start3A_49 = arith.constant 0 : i32
    %dma_start3A_50 = arith.constant 0 : i32
    %dma_start3A_51 = arith.constant 0 : i32
    %dma_start3A_52 = tpu.memref_slice %arg4[%dma_start3A_50, %dma_start3A_51] : memref<64x1024xf32, #tpu.memory_space<vmem>> -> memref<64x1024xf32, #tpu.memory_space<vmem>>
    %dma_start3A_53 = arith.constant 0 : i32
    %dma_start3A_54 = tpu.memref_slice %arg3[%dma_start3A_48, %add3A_47, %dma_start3A_53] : memref<4x8192x1024xf32, #tpu.memory_space<hbm>> -> memref<1x64x1024xf32, #tpu.memory_space<hbm>>
    %dma_start3A_55 = tpu.memref_squeeze %dma_start3A_54 : memref<1x64x1024xf32, #tpu.memory_space<hbm>> -> memref<64x1024xf32, #tpu.memory_space<hbm>>
    %dma_start3A_56 = tpu.memref_slice %arg7[%dma_start3A_49] : memref<2x!tpu.dma_semaphore, #tpu.memory_space<semaphore_mem>> -> memref<1x!tpu.dma_semaphore, #tpu.memory_space<semaphore_mem>>
    %dma_start3A_57 = tpu.memref_squeeze %dma_start3A_56 : memref<1x!tpu.dma_semaphore, #tpu.memory_space<semaphore_mem>> -> memref<!tpu.dma_semaphore, #tpu.memory_space<semaphore_mem>>
    %dma_start3A_58 = arith.constant 0 : i32
    %dma_start3A_59 = tpu.memref_slice %arg3[%dma_start3A_48, %add3A_47, %dma_start3A_58] : memref<4x8192x1024xf32, #tpu.memory_space<hbm>> -> memref<1x64x1024xf32, #tpu.memory_space<hbm>>
    %dma_start3A_60 = tpu.memref_squeeze %dma_start3A_59 : memref<1x64x1024xf32, #tpu.memory_space<hbm>> -> memref<64x1024xf32, #tpu.memory_space<hbm>>
    %dma_start3A_61 = arith.constant 0 : i32
    %dma_start3A_62 = arith.constant 0 : i32
    %dma_start3A_63 = tpu.memref_slice %arg4[%dma_start3A_61, %dma_start3A_62] : memref<64x1024xf32, #tpu.memory_space<vmem>> -> memref<64x1024xf32, #tpu.memory_space<vmem>>
    tpu.enqueue_dma source(%dma_start3A_63 : memref<64x1024xf32, #tpu.memory_space<vmem>>) target(%dma_start3A_60 : memref<64x1024xf32, #tpu.memory_space<hbm>>) target_semaphore(%dma_start3A_57 : memref<!tpu.dma_semaphore, #tpu.memory_space<semaphore_mem>>)
    %add3A_64 = arith.constant 0 : i32
    %add3A_65 = arith.addi %mul3A_2, %add3A_64 : i32
    %dma_start3A_66 = arith.constant 1 : i32
    %dma_start3A_67 = arith.constant 0 : i32
    %dma_start3A_68 = arith.constant 0 : i32
    %dma_start3A_69 = arith.constant 0 : i32
    %dma_start3A_70 = tpu.memref_slice %arg4[%dma_start3A_68, %dma_start3A_69] : memref<64x1024xf32, #tpu.memory_space<vmem>> -> memref<64x1024xf32, #tpu.memory_space<vmem>>
    %dma_start3A_71 = arith.constant 0 : i32
    %dma_start3A_72 = tpu.memref_slice %arg3[%dma_start3A_66, %add3A_65, %dma_start3A_71] : memref<4x8192x1024xf32, #tpu.memory_space<hbm>> -> memref<1x64x1024xf32, #tpu.memory_space<hbm>>
    %dma_start3A_73 = tpu.memref_squeeze %dma_start3A_72 : memref<1x64x1024xf32, #tpu.memory_space<hbm>> -> memref<64x1024xf32, #tpu.memory_space<hbm>>
    %dma_start3A_74 = tpu.memref_slice %arg7[%dma_start3A_67] : memref<2x!tpu.dma_semaphore, #tpu.memory_space<semaphore_mem>> -> memref<1x!tpu.dma_semaphore, #tpu.memory_space<semaphore_mem>>
    %dma_start3A_75 = tpu.memref_squeeze %dma_start3A_74 : memref<1x!tpu.dma_semaphore, #tpu.memory_space<semaphore_mem>> -> memref<!tpu.dma_semaphore, #tpu.memory_space<semaphore_mem>>
    %dma_start3A_76 = arith.constant 0 : i32
    %dma_start3A_77 = tpu.memref_slice %arg3[%dma_start3A_66, %add3A_65, %dma_start3A_76] : memref<4x8192x1024xf32, #tpu.memory_space<hbm>> -> memref<1x64x1024xf32, #tpu.memory_space<hbm>>
    %dma_start3A_78 = tpu.memref_squeeze %dma_start3A_77 : memref<1x64x1024xf32, #tpu.memory_space<hbm>> -> memref<64x1024xf32, #tpu.memory_space<hbm>>
    %dma_start3A_79 = arith.constant 0 : i32
    %dma_start3A_80 = arith.constant 0 : i32
    %dma_start3A_81 = tpu.memref_slice %arg4[%dma_start3A_79, %dma_start3A_80] : memref<64x1024xf32, #tpu.memory_space<vmem>> -> memref<64x1024xf32, #tpu.memory_space<vmem>>
    tpu.enqueue_dma source(%dma_start3A_81 : memref<64x1024xf32, #tpu.memory_space<vmem>>) target(%dma_start3A_78 : memref<64x1024xf32, #tpu.memory_space<hbm>>) target_semaphore(%dma_start3A_75 : memref<!tpu.dma_semaphore, #tpu.memory_space<semaphore_mem>>)
    %add3A_82 = arith.constant 0 : i32
    %add3A_83 = arith.addi %mul3A_2, %add3A_82 : i32
    %dma_start3A_84 = arith.constant 2 : i32
    %dma_start3A_85 = arith.constant 0 : i32
    %dma_start3A_86 = arith.constant 0 : i32
    %dma_start3A_87 = arith.constant 0 : i32
    %dma_start3A_88 = tpu.memref_slice %arg4[%dma_start3A_86, %dma_start3A_87] : memref<64x1024xf32, #tpu.memory_space<vmem>> -> memref<64x1024xf32, #tpu.memory_space<vmem>>
    %dma_start3A_89 = arith.constant 0 : i32
    %dma_start3A_90 = tpu.memref_slice %arg3[%dma_start3A_84, %add3A_83, %dma_start3A_89] : memref<4x8192x1024xf32, #tpu.memory_space<hbm>> -> memref<1x64x1024xf32, #tpu.memory_space<hbm>>
    %dma_start3A_91 = tpu.memref_squeeze %dma_start3A_90 : memref<1x64x1024xf32, #tpu.memory_space<hbm>> -> memref<64x1024xf32, #tpu.memory_space<hbm>>
    %dma_start3A_92 = tpu.memref_slice %arg7[%dma_start3A_85] : memref<2x!tpu.dma_semaphore, #tpu.memory_space<semaphore_mem>> -> memref<1x!tpu.dma_semaphore, #tpu.memory_space<semaphore_mem>>
    %dma_start3A_93 = tpu.memref_squeeze %dma_start3A_92 : memref<1x!tpu.dma_semaphore, #tpu.memory_space<semaphore_mem>> -> memref<!tpu.dma_semaphore, #tpu.memory_space<semaphore_mem>>
    %dma_start3A_94 = arith.constant 0 : i32
    %dma_start3A_95 = tpu.memref_slice %arg3[%dma_start3A_84, %add3A_83, %dma_start3A_94] : memref<4x8192x1024xf32, #tpu.memory_space<hbm>> -> memref<1x64x1024xf32, #tpu.memory_space<hbm>>
    %dma_start3A_96 = tpu.memref_squeeze %dma_start3A_95 : memref<1x64x1024xf32, #tpu.memory_space<hbm>> -> memref<64x1024xf32, #tpu.memory_space<hbm>>
    %dma_start3A_97 = arith.constant 0 : i32
    %dma_start3A_98 = arith.constant 0 : i32
    %dma_start3A_99 = tpu.memref_slice %arg4[%dma_start3A_97, %dma_start3A_98] : memref<64x1024xf32, #tpu.memory_space<vmem>> -> memref<64x1024xf32, #tpu.memory_space<vmem>>
    tpu.enqueue_dma source(%dma_start3A_99 : memref<64x1024xf32, #tpu.memory_space<vmem>>) target(%dma_start3A_96 : memref<64x1024xf32, #tpu.memory_space<hbm>>) target_semaphore(%dma_start3A_93 : memref<!tpu.dma_semaphore, #tpu.memory_space<semaphore_mem>>)
    %add3A_100 = arith.constant 0 : i32
    %add3A_101 = arith.addi %mul3A_2, %add3A_100 : i32
    %dma_start3A_102 = arith.constant 3 : i32
    %dma_start3A_103 = arith.constant 0 : i32
    %dma_start3A_104 = arith.constant 0 : i32
    %dma_start3A_105 = arith.constant 0 : i32
    %dma_start3A_106 = tpu.memref_slice %arg4[%dma_start3A_104, %dma_start3A_105] : memref<64x1024xf32, #tpu.memory_space<vmem>> -> memref<64x1024xf32, #tpu.memory_space<vmem>>
    %dma_start3A_107 = arith.constant 0 : i32
    %dma_start3A_108 = tpu.memref_slice %arg3[%dma_start3A_102, %add3A_101, %dma_start3A_107] : memref<4x8192x1024xf32, #tpu.memory_space<hbm>> -> memref<1x64x1024xf32, #tpu.memory_space<hbm>>
    %dma_start3A_109 = tpu.memref_squeeze %dma_start3A_108 : memref<1x64x1024xf32, #tpu.memory_space<hbm>> -> memref<64x1024xf32, #tpu.memory_space<hbm>>
    %dma_start3A_110 = tpu.memref_slice %arg7[%dma_start3A_103] : memref<2x!tpu.dma_semaphore, #tpu.memory_space<semaphore_mem>> -> memref<1x!tpu.dma_semaphore, #tpu.memory_space<semaphore_mem>>
    %dma_start3A_111 = tpu.memref_squeeze %dma_start3A_110 : memref<1x!tpu.dma_semaphore, #tpu.memory_space<semaphore_mem>> -> memref<!tpu.dma_semaphore, #tpu.memory_space<semaphore_mem>>
    %dma_start3A_112 = arith.constant 0 : i32
    %dma_start3A_113 = tpu.memref_slice %arg3[%dma_start3A_102, %add3A_101, %dma_start3A_112] : memref<4x8192x1024xf32, #tpu.memory_space<hbm>> -> memref<1x64x1024xf32, #tpu.memory_space<hbm>>
    %dma_start3A_114 = tpu.memref_squeeze %dma_start3A_113 : memref<1x64x1024xf32, #tpu.memory_space<hbm>> -> memref<64x1024xf32, #tpu.memory_space<hbm>>
    %dma_start3A_115 = arith.constant 0 : i32
    %dma_start3A_116 = arith.constant 0 : i32
    %dma_start3A_117 = tpu.memref_slice %arg4[%dma_start3A_115, %dma_start3A_116] : memref<64x1024xf32, #tpu.memory_space<vmem>> -> memref<64x1024xf32, #tpu.memory_space<vmem>>
    tpu.enqueue_dma source(%dma_start3A_117 : memref<64x1024xf32, #tpu.memory_space<vmem>>) target(%dma_start3A_114 : memref<64x1024xf32, #tpu.memory_space<hbm>>) target_semaphore(%dma_start3A_111 : memref<!tpu.dma_semaphore, #tpu.memory_space<semaphore_mem>>)
    %add3A_118 = arith.constant 64 : i32
    %add3A_119 = arith.addi %mul3A_2, %add3A_118 : i32
    %dma_wait3A_120 = arith.constant 1 : i32
    %dma_wait3A_121 = arith.constant 0 : i32
    %dma_wait3A_122 = arith.constant 0 : i32
    %dma_wait3A_123 = tpu.memref_slice %arg5[%dma_wait3A_121, %dma_wait3A_122] : memref<56x1024xf32, #tpu.memory_space<vmem>> -> memref<56x1024xf32, #tpu.memory_space<vmem>>
    %dma_wait3A_124 = arith.constant 0 : i32
    %dma_wait3A_125 = tpu.memref_slice %arg2[%add3A_119, %dma_wait3A_124] : memref<8192x1024xf32, #tpu.memory_space<hbm>> -> memref<56x1024xf32, #tpu.memory_space<hbm>>
    %dma_wait3A_126 = tpu.memref_slice %arg6[%dma_wait3A_120] : memref<2x!tpu.dma_semaphore, #tpu.memory_space<semaphore_mem>> -> memref<1x!tpu.dma_semaphore, #tpu.memory_space<semaphore_mem>>
    %dma_wait3A_127 = tpu.memref_squeeze %dma_wait3A_126 : memref<1x!tpu.dma_semaphore, #tpu.memory_space<semaphore_mem>> -> memref<!tpu.dma_semaphore, #tpu.memory_space<semaphore_mem>>
    %dma_wait3A_128 = arith.constant 0 : i32
    %dma_wait3A_129 = arith.constant 0 : i32
    %dma_wait3A_130 = tpu.memref_slice %arg5[%dma_wait3A_128, %dma_wait3A_129] : memref<56x1024xf32, #tpu.memory_space<vmem>> -> memref<56x1024xf32, #tpu.memory_space<vmem>>
    %dma_wait3A_131 = arith.constant 0 : i32
    %dma_wait3A_132 = tpu.memref_slice %arg2[%add3A_119, %dma_wait3A_131] : memref<8192x1024xf32, #tpu.memory_space<hbm>> -> memref<56x1024xf32, #tpu.memory_space<hbm>>
    tpu.wait_dma2 semaphore(%dma_wait3A_127 : memref<!tpu.dma_semaphore, #tpu.memory_space<semaphore_mem>>) src(%dma_wait3A_132 : memref<56x1024xf32, #tpu.memory_space<hbm>>) dst(%dma_wait3A_130 : memref<56x1024xf32, #tpu.memory_space<vmem>>)
    %add3A_133 = arith.constant 0 : i32
    %add3A_134 = arith.addi %mul3A_2, %add3A_133 : i32
    %dma_wait3A_135 = arith.constant 0 : i32
    %dma_wait3A_136 = arith.constant 0 : i32
    %dma_wait3A_137 = arith.constant 0 : i32
    %dma_wait3A_138 = arith.constant 0 : i32
    %dma_wait3A_139 = tpu.memref_slice %arg4[%dma_wait3A_137, %dma_wait3A_138] : memref<64x1024xf32, #tpu.memory_space<vmem>> -> memref<64x1024xf32, #tpu.memory_space<vmem>>
    %dma_wait3A_140 = arith.constant 0 : i32
    %dma_wait3A_141 = tpu.memref_slice %arg3[%dma_wait3A_135, %add3A_134, %dma_wait3A_140] : memref<4x8192x1024xf32, #tpu.memory_space<hbm>> -> memref<1x64x1024xf32, #tpu.memory_space<hbm>>
    %dma_wait3A_142 = tpu.memref_squeeze %dma_wait3A_141 : memref<1x64x1024xf32, #tpu.memory_space<hbm>> -> memref<64x1024xf32, #tpu.memory_space<hbm>>
    %dma_wait3A_143 = tpu.memref_slice %arg7[%dma_wait3A_136] : memref<2x!tpu.dma_semaphore, #tpu.memory_space<semaphore_mem>> -> memref<1x!tpu.dma_semaphore, #tpu.memory_space<semaphore_mem>>
    %dma_wait3A_144 = tpu.memref_squeeze %dma_wait3A_143 : memref<1x!tpu.dma_semaphore, #tpu.memory_space<semaphore_mem>> -> memref<!tpu.dma_semaphore, #tpu.memory_space<semaphore_mem>>
    %dma_wait3A_145 = arith.constant 0 : i32
    %dma_wait3A_146 = tpu.memref_slice %arg3[%dma_wait3A_135, %add3A_134, %dma_wait3A_145] : memref<4x8192x1024xf32, #tpu.memory_space<hbm>> -> memref<1x64x1024xf32, #tpu.memory_space<hbm>>
    %dma_wait3A_147 = tpu.memref_squeeze %dma_wait3A_146 : memref<1x64x1024xf32, #tpu.memory_space<hbm>> -> memref<64x1024xf32, #tpu.memory_space<hbm>>
    %dma_wait3A_148 = arith.constant 0 : i32
    %dma_wait3A_149 = arith.constant 0 : i32
    %dma_wait3A_150 = tpu.memref_slice %arg4[%dma_wait3A_148, %dma_wait3A_149] : memref<64x1024xf32, #tpu.memory_space<vmem>> -> memref<64x1024xf32, #tpu.memory_space<vmem>>
    tpu.wait_dma2 semaphore(%dma_wait3A_144 : memref<!tpu.dma_semaphore, #tpu.memory_space<semaphore_mem>>) src(%dma_wait3A_150 : memref<64x1024xf32, #tpu.memory_space<vmem>>) dst(%dma_wait3A_147 : memref<64x1024xf32, #tpu.memory_space<hbm>>)
    %add3A_151 = arith.constant 0 : i32
    %add3A_152 = arith.addi %mul3A_2, %add3A_151 : i32
    %dma_wait3A_153 = arith.constant 1 : i32
    %dma_wait3A_154 = arith.constant 0 : i32
    %dma_wait3A_155 = arith.constant 0 : i32
    %dma_wait3A_156 = arith.constant 0 : i32
    %dma_wait3A_157 = tpu.memref_slice %arg4[%dma_wait3A_155, %dma_wait3A_156] : memref<64x1024xf32, #tpu.memory_space<vmem>> -> memref<64x1024xf32, #tpu.memory_space<vmem>>
    %dma_wait3A_158 = arith.constant 0 : i32
    %dma_wait3A_159 = tpu.memref_slice %arg3[%dma_wait3A_153, %add3A_152, %dma_wait3A_158] : memref<4x8192x1024xf32, #tpu.memory_space<hbm>> -> memref<1x64x1024xf32, #tpu.memory_space<hbm>>
    %dma_wait3A_160 = tpu.memref_squeeze %dma_wait3A_159 : memref<1x64x1024xf32, #tpu.memory_space<hbm>> -> memref<64x1024xf32, #tpu.memory_space<hbm>>
    %dma_wait3A_161 = tpu.memref_slice %arg7[%dma_wait3A_154] : memref<2x!tpu.dma_semaphore, #tpu.memory_space<semaphore_mem>> -> memref<1x!tpu.dma_semaphore, #tpu.memory_space<semaphore_mem>>
    %dma_wait3A_162 = tpu.memref_squeeze %dma_wait3A_161 : memref<1x!tpu.dma_semaphore, #tpu.memory_space<semaphore_mem>> -> memref<!tpu.dma_semaphore, #tpu.memory_space<semaphore_mem>>
    %dma_wait3A_163 = arith.constant 0 : i32
    %dma_wait3A_164 = tpu.memref_slice %arg3[%dma_wait3A_153, %add3A_152, %dma_wait3A_163] : memref<4x8192x1024xf32, #tpu.memory_space<hbm>> -> memref<1x64x1024xf32, #tpu.memory_space<hbm>>
    %dma_wait3A_165 = tpu.memref_squeeze %dma_wait3A_164 : memref<1x64x1024xf32, #tpu.memory_space<hbm>> -> memref<64x1024xf32, #tpu.memory_space<hbm>>
    %dma_wait3A_166 = arith.constant 0 : i32
    %dma_wait3A_167 = arith.constant 0 : i32
    %dma_wait3A_168 = tpu.memref_slice %arg4[%dma_wait3A_166, %dma_wait3A_167] : memref<64x1024xf32, #tpu.memory_space<vmem>> -> memref<64x1024xf32, #tpu.memory_space<vmem>>
    tpu.wait_dma2 semaphore(%dma_wait3A_162 : memref<!tpu.dma_semaphore, #tpu.memory_space<semaphore_mem>>) src(%dma_wait3A_168 : memref<64x1024xf32, #tpu.memory_space<vmem>>) dst(%dma_wait3A_165 : memref<64x1024xf32, #tpu.memory_space<hbm>>)
    %add3A_169 = arith.constant 0 : i32
    %add3A_170 = arith.addi %mul3A_2, %add3A_169 : i32
    %dma_wait3A_171 = arith.constant 2 : i32
    %dma_wait3A_172 = arith.constant 0 : i32
    %dma_wait3A_173 = arith.constant 0 : i32
    %dma_wait3A_174 = arith.constant 0 : i32
    %dma_wait3A_175 = tpu.memref_slice %arg4[%dma_wait3A_173, %dma_wait3A_174] : memref<64x1024xf32, #tpu.memory_space<vmem>> -> memref<64x1024xf32, #tpu.memory_space<vmem>>
    %dma_wait3A_176 = arith.constant 0 : i32
    %dma_wait3A_177 = tpu.memref_slice %arg3[%dma_wait3A_171, %add3A_170, %dma_wait3A_176] : memref<4x8192x1024xf32, #tpu.memory_space<hbm>> -> memref<1x64x1024xf32, #tpu.memory_space<hbm>>
    %dma_wait3A_178 = tpu.memref_squeeze %dma_wait3A_177 : memref<1x64x1024xf32, #tpu.memory_space<hbm>> -> memref<64x1024xf32, #tpu.memory_space<hbm>>
    %dma_wait3A_179 = tpu.memref_slice %arg7[%dma_wait3A_172] : memref<2x!tpu.dma_semaphore, #tpu.memory_space<semaphore_mem>> -> memref<1x!tpu.dma_semaphore, #tpu.memory_space<semaphore_mem>>
    %dma_wait3A_180 = tpu.memref_squeeze %dma_wait3A_179 : memref<1x!tpu.dma_semaphore, #tpu.memory_space<semaphore_mem>> -> memref<!tpu.dma_semaphore, #tpu.memory_space<semaphore_mem>>
    %dma_wait3A_181 = arith.constant 0 : i32
    %dma_wait3A_182 = tpu.memref_slice %arg3[%dma_wait3A_171, %add3A_170, %dma_wait3A_181] : memref<4x8192x1024xf32, #tpu.memory_space<hbm>> -> memref<1x64x1024xf32, #tpu.memory_space<hbm>>
    %dma_wait3A_183 = tpu.memref_squeeze %dma_wait3A_182 : memref<1x64x1024xf32, #tpu.memory_space<hbm>> -> memref<64x1024xf32, #tpu.memory_space<hbm>>
    %dma_wait3A_184 = arith.constant 0 : i32
    %dma_wait3A_185 = arith.constant 0 : i32
    %dma_wait3A_186 = tpu.memref_slice %arg4[%dma_wait3A_184, %dma_wait3A_185] : memref<64x1024xf32, #tpu.memory_space<vmem>> -> memref<64x1024xf32, #tpu.memory_space<vmem>>
    tpu.wait_dma2 semaphore(%dma_wait3A_180 : memref<!tpu.dma_semaphore, #tpu.memory_space<semaphore_mem>>) src(%dma_wait3A_186 : memref<64x1024xf32, #tpu.memory_space<vmem>>) dst(%dma_wait3A_183 : memref<64x1024xf32, #tpu.memory_space<hbm>>)
    %add3A_187 = arith.constant 0 : i32
    %add3A_188 = arith.addi %mul3A_2, %add3A_187 : i32
    %dma_wait3A_189 = arith.constant 3 : i32
    %dma_wait3A_190 = arith.constant 0 : i32
    %dma_wait3A_191 = arith.constant 0 : i32
    %dma_wait3A_192 = arith.constant 0 : i32
    %dma_wait3A_193 = tpu.memref_slice %arg4[%dma_wait3A_191, %dma_wait3A_192] : memref<64x1024xf32, #tpu.memory_space<vmem>> -> memref<64x1024xf32, #tpu.memory_space<vmem>>
    %dma_wait3A_194 = arith.constant 0 : i32
    %dma_wait3A_195 = tpu.memref_slice %arg3[%dma_wait3A_189, %add3A_188, %dma_wait3A_194] : memref<4x8192x1024xf32, #tpu.memory_space<hbm>> -> memref<1x64x1024xf32, #tpu.memory_space<hbm>>
    %dma_wait3A_196 = tpu.memref_squeeze %dma_wait3A_195 : memref<1x64x1024xf32, #tpu.memory_space<hbm>> -> memref<64x1024xf32, #tpu.memory_space<hbm>>
    %dma_wait3A_197 = tpu.memref_slice %arg7[%dma_wait3A_190] : memref<2x!tpu.dma_semaphore, #tpu.memory_space<semaphore_mem>> -> memref<1x!tpu.dma_semaphore, #tpu.memory_space<semaphore_mem>>
    %dma_wait3A_198 = tpu.memref_squeeze %dma_wait3A_197 : memref<1x!tpu.dma_semaphore, #tpu.memory_space<semaphore_mem>> -> memref<!tpu.dma_semaphore, #tpu.memory_space<semaphore_mem>>
    %dma_wait3A_199 = arith.constant 0 : i32
    %dma_wait3A_200 = tpu.memref_slice %arg3[%dma_wait3A_189, %add3A_188, %dma_wait3A_199] : memref<4x8192x1024xf32, #tpu.memory_space<hbm>> -> memref<1x64x1024xf32, #tpu.memory_space<hbm>>
    %dma_wait3A_201 = tpu.memref_squeeze %dma_wait3A_200 : memref<1x64x1024xf32, #tpu.memory_space<hbm>> -> memref<64x1024xf32, #tpu.memory_space<hbm>>
    %dma_wait3A_202 = arith.constant 0 : i32
    %dma_wait3A_203 = arith.constant 0 : i32
    %dma_wait3A_204 = tpu.memref_slice %arg4[%dma_wait3A_202, %dma_wait3A_203] : memref<64x1024xf32, #tpu.memory_space<vmem>> -> memref<64x1024xf32, #tpu.memory_space<vmem>>
    tpu.wait_dma2 semaphore(%dma_wait3A_198 : memref<!tpu.dma_semaphore, #tpu.memory_space<semaphore_mem>>) src(%dma_wait3A_204 : memref<64x1024xf32, #tpu.memory_space<vmem>>) dst(%dma_wait3A_201 : memref<64x1024xf32, #tpu.memory_space<hbm>>)
    %add3A_205 = arith.constant 120 : i32
    %add3A_206 = arith.addi %mul3A_2, %add3A_205 : i32
    %dma_start3A_207 = arith.constant 0 : i32
    %dma_start3A_208 = arith.constant 0 : i32
    %dma_start3A_209 = arith.constant 0 : i32
    %dma_start3A_210 = tpu.memref_slice %arg4[%dma_start3A_208, %dma_start3A_209] : memref<64x1024xf32, #tpu.memory_space<vmem>> -> memref<64x1024xf32, #tpu.memory_space<vmem>>
    %dma_start3A_211 = arith.constant 0 : i32
    %dma_start3A_212 = tpu.memref_slice %arg2[%add3A_206, %dma_start3A_211] : memref<8192x1024xf32, #tpu.memory_space<hbm>> -> memref<64x1024xf32, #tpu.memory_space<hbm>>
    %dma_start3A_213 = tpu.memref_slice %arg6[%dma_start3A_207] : memref<2x!tpu.dma_semaphore, #tpu.memory_space<semaphore_mem>> -> memref<1x!tpu.dma_semaphore, #tpu.memory_space<semaphore_mem>>
    %dma_start3A_214 = tpu.memref_squeeze %dma_start3A_213 : memref<1x!tpu.dma_semaphore, #tpu.memory_space<semaphore_mem>> -> memref<!tpu.dma_semaphore, #tpu.memory_space<semaphore_mem>>
    %dma_start3A_215 = arith.constant 0 : i32
    %dma_start3A_216 = arith.constant 0 : i32
    %dma_start3A_217 = tpu.memref_slice %arg4[%dma_start3A_215, %dma_start3A_216] : memref<64x1024xf32, #tpu.memory_space<vmem>> -> memref<64x1024xf32, #tpu.memory_space<vmem>>
    %dma_start3A_218 = arith.constant 0 : i32
    %dma_start3A_219 = tpu.memref_slice %arg2[%add3A_206, %dma_start3A_218] : memref<8192x1024xf32, #tpu.memory_space<hbm>> -> memref<64x1024xf32, #tpu.memory_space<hbm>>
    tpu.enqueue_dma source(%dma_start3A_219 : memref<64x1024xf32, #tpu.memory_space<hbm>>) target(%dma_start3A_217 : memref<64x1024xf32, #tpu.memory_space<vmem>>) target_semaphore(%dma_start3A_214 : memref<!tpu.dma_semaphore, #tpu.memory_space<semaphore_mem>>)
    %add3A_220 = arith.constant 64 : i32
    %add3A_221 = arith.addi %mul3A_2, %add3A_220 : i32
    %dma_start3A_222 = arith.constant 0 : i32
    %dma_start3A_223 = arith.constant 1 : i32
    %dma_start3A_224 = arith.constant 0 : i32
    %dma_start3A_225 = arith.constant 0 : i32
    %dma_start3A_226 = tpu.memref_slice %arg5[%dma_start3A_224, %dma_start3A_225] : memref<56x1024xf32, #tpu.memory_space<vmem>> -> memref<56x1024xf32, #tpu.memory_space<vmem>>
    %dma_start3A_227 = arith.constant 0 : i32
    %dma_start3A_228 = tpu.memref_slice %arg3[%dma_start3A_222, %add3A_221, %dma_start3A_227] : memref<4x8192x1024xf32, #tpu.memory_space<hbm>> -> memref<1x56x1024xf32, #tpu.memory_space<hbm>>
    %dma_start3A_229 = tpu.memref_squeeze %dma_start3A_228 : memref<1x56x1024xf32, #tpu.memory_space<hbm>> -> memref<56x1024xf32, #tpu.memory_space<hbm>>
    %dma_start3A_230 = tpu.memref_slice %arg7[%dma_start3A_223] : memref<2x!tpu.dma_semaphore, #tpu.memory_space<semaphore_mem>> -> memref<1x!tpu.dma_semaphore, #tpu.memory_space<semaphore_mem>>
    %dma_start3A_231 = tpu.memref_squeeze %dma_start3A_230 : memref<1x!tpu.dma_semaphore, #tpu.memory_space<semaphore_mem>> -> memref<!tpu.dma_semaphore, #tpu.memory_space<semaphore_mem>>
    %dma_start3A_232 = arith.constant 0 : i32
    %dma_start3A_233 = tpu.memref_slice %arg3[%dma_start3A_222, %add3A_221, %dma_start3A_232] : memref<4x8192x1024xf32, #tpu.memory_space<hbm>> -> memref<1x56x1024xf32, #tpu.memory_space<hbm>>
    %dma_start3A_234 = tpu.memref_squeeze %dma_start3A_233 : memref<1x56x1024xf32, #tpu.memory_space<hbm>> -> memref<56x1024xf32, #tpu.memory_space<hbm>>
    %dma_start3A_235 = arith.constant 0 : i32
    %dma_start3A_236 = arith.constant 0 : i32
    %dma_start3A_237 = tpu.memref_slice %arg5[%dma_start3A_235, %dma_start3A_236] : memref<56x1024xf32, #tpu.memory_space<vmem>> -> memref<56x1024xf32, #tpu.memory_space<vmem>>
    tpu.enqueue_dma source(%dma_start3A_237 : memref<56x1024xf32, #tpu.memory_space<vmem>>) target(%dma_start3A_234 : memref<56x1024xf32, #tpu.memory_space<hbm>>) target_semaphore(%dma_start3A_231 : memref<!tpu.dma_semaphore, #tpu.memory_space<semaphore_mem>>)
    %add3A_238 = arith.constant 64 : i32
    %add3A_239 = arith.addi %mul3A_2, %add3A_238 : i32
    %dma_start3A_240 = arith.constant 1 : i32
    %dma_start3A_241 = arith.constant 1 : i32
    %dma_start3A_242 = arith.constant 0 : i32
    %dma_start3A_243 = arith.constant 0 : i32
    %dma_start3A_244 = tpu.memref_slice %arg5[%dma_start3A_242, %dma_start3A_243] : memref<56x1024xf32, #tpu.memory_space<vmem>> -> memref<56x1024xf32, #tpu.memory_space<vmem>>
    %dma_start3A_245 = arith.constant 0 : i32
    %dma_start3A_246 = tpu.memref_slice %arg3[%dma_start3A_240, %add3A_239, %dma_start3A_245] : memref<4x8192x1024xf32, #tpu.memory_space<hbm>> -> memref<1x56x1024xf32, #tpu.memory_space<hbm>>
    %dma_start3A_247 = tpu.memref_squeeze %dma_start3A_246 : memref<1x56x1024xf32, #tpu.memory_space<hbm>> -> memref<56x1024xf32, #tpu.memory_space<hbm>>
    %dma_start3A_248 = tpu.memref_slice %arg7[%dma_start3A_241] : memref<2x!tpu.dma_semaphore, #tpu.memory_space<semaphore_mem>> -> memref<1x!tpu.dma_semaphore, #tpu.memory_space<semaphore_mem>>
    %dma_start3A_249 = tpu.memref_squeeze %dma_start3A_248 : memref<1x!tpu.dma_semaphore, #tpu.memory_space<semaphore_mem>> -> memref<!tpu.dma_semaphore, #tpu.memory_space<semaphore_mem>>
    %dma_start3A_250 = arith.constant 0 : i32
    %dma_start3A_251 = tpu.memref_slice %arg3[%dma_start3A_240, %add3A_239, %dma_start3A_250] : memref<4x8192x1024xf32, #tpu.memory_space<hbm>> -> memref<1x56x1024xf32, #tpu.memory_space<hbm>>
    %dma_start3A_252 = tpu.memref_squeeze %dma_start3A_251 : memref<1x56x1024xf32, #tpu.memory_space<hbm>> -> memref<56x1024xf32, #tpu.memory_space<hbm>>
    %dma_start3A_253 = arith.constant 0 : i32
    %dma_start3A_254 = arith.constant 0 : i32
    %dma_start3A_255 = tpu.memref_slice %arg5[%dma_start3A_253, %dma_start3A_254] : memref<56x1024xf32, #tpu.memory_space<vmem>> -> memref<56x1024xf32, #tpu.memory_space<vmem>>
    tpu.enqueue_dma source(%dma_start3A_255 : memref<56x1024xf32, #tpu.memory_space<vmem>>) target(%dma_start3A_252 : memref<56x1024xf32, #tpu.memory_space<hbm>>) target_semaphore(%dma_start3A_249 : memref<!tpu.dma_semaphore, #tpu.memory_space<semaphore_mem>>)
    %add3A_256 = arith.constant 64 : i32
    %add3A_257 = arith.addi %mul3A_2, %add3A_256 : i32
    %dma_start3A_258 = arith.constant 2 : i32
    %dma_start3A_259 = arith.constant 1 : i32
    %dma_start3A_260 = arith.constant 0 : i32
    %dma_start3A_261 = arith.constant 0 : i32
    %dma_start3A_262 = tpu.memref_slice %arg5[%dma_start3A_260, %dma_start3A_261] : memref<56x1024xf32, #tpu.memory_space<vmem>> -> memref<56x1024xf32, #tpu.memory_space<vmem>>
    %dma_start3A_263 = arith.constant 0 : i32
    %dma_start3A_264 = tpu.memref_slice %arg3[%dma_start3A_258, %add3A_257, %dma_start3A_263] : memref<4x8192x1024xf32, #tpu.memory_space<hbm>> -> memref<1x56x1024xf32, #tpu.memory_space<hbm>>
    %dma_start3A_265 = tpu.memref_squeeze %dma_start3A_264 : memref<1x56x1024xf32, #tpu.memory_space<hbm>> -> memref<56x1024xf32, #tpu.memory_space<hbm>>
    %dma_start3A_266 = tpu.memref_slice %arg7[%dma_start3A_259] : memref<2x!tpu.dma_semaphore, #tpu.memory_space<semaphore_mem>> -> memref<1x!tpu.dma_semaphore, #tpu.memory_space<semaphore_mem>>
    %dma_start3A_267 = tpu.memref_squeeze %dma_start3A_266 : memref<1x!tpu.dma_semaphore, #tpu.memory_space<semaphore_mem>> -> memref<!tpu.dma_semaphore, #tpu.memory_space<semaphore_mem>>
    %dma_start3A_268 = arith.constant 0 : i32
    %dma_start3A_269 = tpu.memref_slice %arg3[%dma_start3A_258, %add3A_257, %dma_start3A_268] : memref<4x8192x1024xf32, #tpu.memory_space<hbm>> -> memref<1x56x1024xf32, #tpu.memory_space<hbm>>
    %dma_start3A_270 = tpu.memref_squeeze %dma_start3A_269 : memref<1x56x1024xf32, #tpu.memory_space<hbm>> -> memref<56x1024xf32, #tpu.memory_space<hbm>>
    %dma_start3A_271 = arith.constant 0 : i32
    %dma_start3A_272 = arith.constant 0 : i32
    %dma_start3A_273 = tpu.memref_slice %arg5[%dma_start3A_271, %dma_start3A_272] : memref<56x1024xf32, #tpu.memory_space<vmem>> -> memref<56x1024xf32, #tpu.memory_space<vmem>>
    tpu.enqueue_dma source(%dma_start3A_273 : memref<56x1024xf32, #tpu.memory_space<vmem>>) target(%dma_start3A_270 : memref<56x1024xf32, #tpu.memory_space<hbm>>) target_semaphore(%dma_start3A_267 : memref<!tpu.dma_semaphore, #tpu.memory_space<semaphore_mem>>)
    %add3A_274 = arith.constant 64 : i32
    %add3A_275 = arith.addi %mul3A_2, %add3A_274 : i32
    %dma_start3A_276 = arith.constant 3 : i32
    %dma_start3A_277 = arith.constant 1 : i32
    %dma_start3A_278 = arith.constant 0 : i32
    %dma_start3A_279 = arith.constant 0 : i32
    %dma_start3A_280 = tpu.memref_slice %arg5[%dma_start3A_278, %dma_start3A_279] : memref<56x1024xf32, #tpu.memory_space<vmem>> -> memref<56x1024xf32, #tpu.memory_space<vmem>>
    %dma_start3A_281 = arith.constant 0 : i32
    %dma_start3A_282 = tpu.memref_slice %arg3[%dma_start3A_276, %add3A_275, %dma_start3A_281] : memref<4x8192x1024xf32, #tpu.memory_space<hbm>> -> memref<1x56x1024xf32, #tpu.memory_space<hbm>>
    %dma_start3A_283 = tpu.memref_squeeze %dma_start3A_282 : memref<1x56x1024xf32, #tpu.memory_space<hbm>> -> memref<56x1024xf32, #tpu.memory_space<hbm>>
    %dma_start3A_284 = tpu.memref_slice %arg7[%dma_start3A_277] : memref<2x!tpu.dma_semaphore, #tpu.memory_space<semaphore_mem>> -> memref<1x!tpu.dma_semaphore, #tpu.memory_space<semaphore_mem>>
    %dma_start3A_285 = tpu.memref_squeeze %dma_start3A_284 : memref<1x!tpu.dma_semaphore, #tpu.memory_space<semaphore_mem>> -> memref<!tpu.dma_semaphore, #tpu.memory_space<semaphore_mem>>
    %dma_start3A_286 = arith.constant 0 : i32
    %dma_start3A_287 = tpu.memref_slice %arg3[%dma_start3A_276, %add3A_275, %dma_start3A_286] : memref<4x8192x1024xf32, #tpu.memory_space<hbm>> -> memref<1x56x1024xf32, #tpu.memory_space<hbm>>
    %dma_start3A_288 = tpu.memref_squeeze %dma_start3A_287 : memref<1x56x1024xf32, #tpu.memory_space<hbm>> -> memref<56x1024xf32, #tpu.memory_space<hbm>>
    %dma_start3A_289 = arith.constant 0 : i32
    %dma_start3A_290 = arith.constant 0 : i32
    %dma_start3A_291 = tpu.memref_slice %arg5[%dma_start3A_289, %dma_start3A_290] : memref<56x1024xf32, #tpu.memory_space<vmem>> -> memref<56x1024xf32, #tpu.memory_space<vmem>>
    tpu.enqueue_dma source(%dma_start3A_291 : memref<56x1024xf32, #tpu.memory_space<vmem>>) target(%dma_start3A_288 : memref<56x1024xf32, #tpu.memory_space<hbm>>) target_semaphore(%dma_start3A_285 : memref<!tpu.dma_semaphore, #tpu.memory_space<semaphore_mem>>)
    %add3A_292 = arith.constant 120 : i32
    %add3A_293 = arith.addi %mul3A_2, %add3A_292 : i32
    %dma_wait3A_294 = arith.constant 0 : i32
    %dma_wait3A_295 = arith.constant 0 : i32
    %dma_wait3A_296 = arith.constant 0 : i32
    %dma_wait3A_297 = tpu.memref_slice %arg4[%dma_wait3A_295, %dma_wait3A_296] : memref<64x1024xf32, #tpu.memory_space<vmem>> -> memref<64x1024xf32, #tpu.memory_space<vmem>>
    %dma_wait3A_298 = arith.constant 0 : i32
    %dma_wait3A_299 = tpu.memref_slice %arg2[%add3A_293, %dma_wait3A_298] : memref<8192x1024xf32, #tpu.memory_space<hbm>> -> memref<64x1024xf32, #tpu.memory_space<hbm>>
    %dma_wait3A_300 = tpu.memref_slice %arg6[%dma_wait3A_294] : memref<2x!tpu.dma_semaphore, #tpu.memory_space<semaphore_mem>> -> memref<1x!tpu.dma_semaphore, #tpu.memory_space<semaphore_mem>>
    %dma_wait3A_301 = tpu.memref_squeeze %dma_wait3A_300 : memref<1x!tpu.dma_semaphore, #tpu.memory_space<semaphore_mem>> -> memref<!tpu.dma_semaphore, #tpu.memory_space<semaphore_mem>>
    %dma_wait3A_302 = arith.constant 0 : i32
    %dma_wait3A_303 = arith.constant 0 : i32
    %dma_wait3A_304 = tpu.memref_slice %arg4[%dma_wait3A_302, %dma_wait3A_303] : memref<64x1024xf32, #tpu.memory_space<vmem>> -> memref<64x1024xf32, #tpu.memory_space<vmem>>
    %dma_wait3A_305 = arith.constant 0 : i32
    %dma_wait3A_306 = tpu.memref_slice %arg2[%add3A_293, %dma_wait3A_305] : memref<8192x1024xf32, #tpu.memory_space<hbm>> -> memref<64x1024xf32, #tpu.memory_space<hbm>>
    tpu.wait_dma2 semaphore(%dma_wait3A_301 : memref<!tpu.dma_semaphore, #tpu.memory_space<semaphore_mem>>) src(%dma_wait3A_306 : memref<64x1024xf32, #tpu.memory_space<hbm>>) dst(%dma_wait3A_304 : memref<64x1024xf32, #tpu.memory_space<vmem>>)
    %add3A_307 = arith.constant 64 : i32
    %add3A_308 = arith.addi %mul3A_2, %add3A_307 : i32
    %dma_wait3A_309 = arith.constant 0 : i32
    %dma_wait3A_310 = arith.constant 1 : i32
    %dma_wait3A_311 = arith.constant 0 : i32
    %dma_wait3A_312 = arith.constant 0 : i32
    %dma_wait3A_313 = tpu.memref_slice %arg5[%dma_wait3A_311, %dma_wait3A_312] : memref<56x1024xf32, #tpu.memory_space<vmem>> -> memref<56x1024xf32, #tpu.memory_space<vmem>>
    %dma_wait3A_314 = arith.constant 0 : i32
    %dma_wait3A_315 = tpu.memref_slice %arg3[%dma_wait3A_309, %add3A_308, %dma_wait3A_314] : memref<4x8192x1024xf32, #tpu.memory_space<hbm>> -> memref<1x56x1024xf32, #tpu.memory_space<hbm>>
    %dma_wait3A_316 = tpu.memref_squeeze %dma_wait3A_315 : memref<1x56x1024xf32, #tpu.memory_space<hbm>> -> memref<56x1024xf32, #tpu.memory_space<hbm>>
    %dma_wait3A_317 = tpu.memref_slice %arg7[%dma_wait3A_310] : memref<2x!tpu.dma_semaphore, #tpu.memory_space<semaphore_mem>> -> memref<1x!tpu.dma_semaphore, #tpu.memory_space<semaphore_mem>>
    %dma_wait3A_318 = tpu.memref_squeeze %dma_wait3A_317 : memref<1x!tpu.dma_semaphore, #tpu.memory_space<semaphore_mem>> -> memref<!tpu.dma_semaphore, #tpu.memory_space<semaphore_mem>>
    %dma_wait3A_319 = arith.constant 0 : i32
    %dma_wait3A_320 = tpu.memref_slice %arg3[%dma_wait3A_309, %add3A_308, %dma_wait3A_319] : memref<4x8192x1024xf32, #tpu.memory_space<hbm>> -> memref<1x56x1024xf32, #tpu.memory_space<hbm>>
    %dma_wait3A_321 = tpu.memref_squeeze %dma_wait3A_320 : memref<1x56x1024xf32, #tpu.memory_space<hbm>> -> memref<56x1024xf32, #tpu.memory_space<hbm>>
    %dma_wait3A_322 = arith.constant 0 : i32
    %dma_wait3A_323 = arith.constant 0 : i32
    %dma_wait3A_324 = tpu.memref_slice %arg5[%dma_wait3A_322, %dma_wait3A_323] : memref<56x1024xf32, #tpu.memory_space<vmem>> -> memref<56x1024xf32, #tpu.memory_space<vmem>>
    tpu.wait_dma2 semaphore(%dma_wait3A_318 : memref<!tpu.dma_semaphore, #tpu.memory_space<semaphore_mem>>) src(%dma_wait3A_324 : memref<56x1024xf32, #tpu.memory_space<vmem>>) dst(%dma_wait3A_321 : memref<56x1024xf32, #tpu.memory_space<hbm>>)
    %add3A_325 = arith.constant 64 : i32
    %add3A_326 = arith.addi %mul3A_2, %add3A_325 : i32
    %dma_wait3A_327 = arith.constant 1 : i32
    %dma_wait3A_328 = arith.constant 1 : i32
    %dma_wait3A_329 = arith.constant 0 : i32
    %dma_wait3A_330 = arith.constant 0 : i32
    %dma_wait3A_331 = tpu.memref_slice %arg5[%dma_wait3A_329, %dma_wait3A_330] : memref<56x1024xf32, #tpu.memory_space<vmem>> -> memref<56x1024xf32, #tpu.memory_space<vmem>>
    %dma_wait3A_332 = arith.constant 0 : i32
    %dma_wait3A_333 = tpu.memref_slice %arg3[%dma_wait3A_327, %add3A_326, %dma_wait3A_332] : memref<4x8192x1024xf32, #tpu.memory_space<hbm>> -> memref<1x56x1024xf32, #tpu.memory_space<hbm>>
    %dma_wait3A_334 = tpu.memref_squeeze %dma_wait3A_333 : memref<1x56x1024xf32, #tpu.memory_space<hbm>> -> memref<56x1024xf32, #tpu.memory_space<hbm>>
    %dma_wait3A_335 = tpu.memref_slice %arg7[%dma_wait3A_328] : memref<2x!tpu.dma_semaphore, #tpu.memory_space<semaphore_mem>> -> memref<1x!tpu.dma_semaphore, #tpu.memory_space<semaphore_mem>>
    %dma_wait3A_336 = tpu.memref_squeeze %dma_wait3A_335 : memref<1x!tpu.dma_semaphore, #tpu.memory_space<semaphore_mem>> -> memref<!tpu.dma_semaphore, #tpu.memory_space<semaphore_mem>>
    %dma_wait3A_337 = arith.constant 0 : i32
    %dma_wait3A_338 = tpu.memref_slice %arg3[%dma_wait3A_327, %add3A_326, %dma_wait3A_337] : memref<4x8192x1024xf32, #tpu.memory_space<hbm>> -> memref<1x56x1024xf32, #tpu.memory_space<hbm>>
    %dma_wait3A_339 = tpu.memref_squeeze %dma_wait3A_338 : memref<1x56x1024xf32, #tpu.memory_space<hbm>> -> memref<56x1024xf32, #tpu.memory_space<hbm>>
    %dma_wait3A_340 = arith.constant 0 : i32
    %dma_wait3A_341 = arith.constant 0 : i32
    %dma_wait3A_342 = tpu.memref_slice %arg5[%dma_wait3A_340, %dma_wait3A_341] : memref<56x1024xf32, #tpu.memory_space<vmem>> -> memref<56x1024xf32, #tpu.memory_space<vmem>>
    tpu.wait_dma2 semaphore(%dma_wait3A_336 : memref<!tpu.dma_semaphore, #tpu.memory_space<semaphore_mem>>) src(%dma_wait3A_342 : memref<56x1024xf32, #tpu.memory_space<vmem>>) dst(%dma_wait3A_339 : memref<56x1024xf32, #tpu.memory_space<hbm>>)
    %add3A_343 = arith.constant 64 : i32
    %add3A_344 = arith.addi %mul3A_2, %add3A_343 : i32
    %dma_wait3A_345 = arith.constant 2 : i32
    %dma_wait3A_346 = arith.constant 1 : i32
    %dma_wait3A_347 = arith.constant 0 : i32
    %dma_wait3A_348 = arith.constant 0 : i32
    %dma_wait3A_349 = tpu.memref_slice %arg5[%dma_wait3A_347, %dma_wait3A_348] : memref<56x1024xf32, #tpu.memory_space<vmem>> -> memref<56x1024xf32, #tpu.memory_space<vmem>>
    %dma_wait3A_350 = arith.constant 0 : i32
    %dma_wait3A_351 = tpu.memref_slice %arg3[%dma_wait3A_345, %add3A_344, %dma_wait3A_350] : memref<4x8192x1024xf32, #tpu.memory_space<hbm>> -> memref<1x56x1024xf32, #tpu.memory_space<hbm>>
    %dma_wait3A_352 = tpu.memref_squeeze %dma_wait3A_351 : memref<1x56x1024xf32, #tpu.memory_space<hbm>> -> memref<56x1024xf32, #tpu.memory_space<hbm>>
    %dma_wait3A_353 = tpu.memref_slice %arg7[%dma_wait3A_346] : memref<2x!tpu.dma_semaphore, #tpu.memory_space<semaphore_mem>> -> memref<1x!tpu.dma_semaphore, #tpu.memory_space<semaphore_mem>>
    %dma_wait3A_354 = tpu.memref_squeeze %dma_wait3A_353 : memref<1x!tpu.dma_semaphore, #tpu.memory_space<semaphore_mem>> -> memref<!tpu.dma_semaphore, #tpu.memory_space<semaphore_mem>>
    %dma_wait3A_355 = arith.constant 0 : i32
    %dma_wait3A_356 = tpu.memref_slice %arg3[%dma_wait3A_345, %add3A_344, %dma_wait3A_355] : memref<4x8192x1024xf32, #tpu.memory_space<hbm>> -> memref<1x56x1024xf32, #tpu.memory_space<hbm>>
    %dma_wait3A_357 = tpu.memref_squeeze %dma_wait3A_356 : memref<1x56x1024xf32, #tpu.memory_space<hbm>> -> memref<56x1024xf32, #tpu.memory_space<hbm>>
    %dma_wait3A_358 = arith.constant 0 : i32
    %dma_wait3A_359 = arith.constant 0 : i32
    %dma_wait3A_360 = tpu.memref_slice %arg5[%dma_wait3A_358, %dma_wait3A_359] : memref<56x1024xf32, #tpu.memory_space<vmem>> -> memref<56x1024xf32, #tpu.memory_space<vmem>>
    tpu.wait_dma2 semaphore(%dma_wait3A_354 : memref<!tpu.dma_semaphore, #tpu.memory_space<semaphore_mem>>) src(%dma_wait3A_360 : memref<56x1024xf32, #tpu.memory_space<vmem>>) dst(%dma_wait3A_357 : memref<56x1024xf32, #tpu.memory_space<hbm>>)
    %add3A_361 = arith.constant 64 : i32
    %add3A_362 = arith.addi %mul3A_2, %add3A_361 : i32
    %dma_wait3A_363 = arith.constant 3 : i32
    %dma_wait3A_364 = arith.constant 1 : i32
    %dma_wait3A_365 = arith.constant 0 : i32
    %dma_wait3A_366 = arith.constant 0 : i32
    %dma_wait3A_367 = tpu.memref_slice %arg5[%dma_wait3A_365, %dma_wait3A_366] : memref<56x1024xf32, #tpu.memory_space<vmem>> -> memref<56x1024xf32, #tpu.memory_space<vmem>>
    %dma_wait3A_368 = arith.constant 0 : i32
    %dma_wait3A_369 = tpu.memref_slice %arg3[%dma_wait3A_363, %add3A_362, %dma_wait3A_368] : memref<4x8192x1024xf32, #tpu.memory_space<hbm>> -> memref<1x56x1024xf32, #tpu.memory_space<hbm>>
    %dma_wait3A_370 = tpu.memref_squeeze %dma_wait3A_369 : memref<1x56x1024xf32, #tpu.memory_space<hbm>> -> memref<56x1024xf32, #tpu.memory_space<hbm>>
    %dma_wait3A_371 = tpu.memref_slice %arg7[%dma_wait3A_364] : memref<2x!tpu.dma_semaphore, #tpu.memory_space<semaphore_mem>> -> memref<1x!tpu.dma_semaphore, #tpu.memory_space<semaphore_mem>>
    %dma_wait3A_372 = tpu.memref_squeeze %dma_wait3A_371 : memref<1x!tpu.dma_semaphore, #tpu.memory_space<semaphore_mem>> -> memref<!tpu.dma_semaphore, #tpu.memory_space<semaphore_mem>>
    %dma_wait3A_373 = arith.constant 0 : i32
    %dma_wait3A_374 = tpu.memref_slice %arg3[%dma_wait3A_363, %add3A_362, %dma_wait3A_373] : memref<4x8192x1024xf32, #tpu.memory_space<hbm>> -> memref<1x56x1024xf32, #tpu.memory_space<hbm>>
    %dma_wait3A_375 = tpu.memref_squeeze %dma_wait3A_374 : memref<1x56x1024xf32, #tpu.memory_space<hbm>> -> memref<56x1024xf32, #tpu.memory_space<hbm>>
    %dma_wait3A_376 = arith.constant 0 : i32
    %dma_wait3A_377 = arith.constant 0 : i32
    %dma_wait3A_378 = tpu.memref_slice %arg5[%dma_wait3A_376, %dma_wait3A_377] : memref<56x1024xf32, #tpu.memory_space<vmem>> -> memref<56x1024xf32, #tpu.memory_space<vmem>>
    tpu.wait_dma2 semaphore(%dma_wait3A_372 : memref<!tpu.dma_semaphore, #tpu.memory_space<semaphore_mem>>) src(%dma_wait3A_378 : memref<56x1024xf32, #tpu.memory_space<vmem>>) dst(%dma_wait3A_375 : memref<56x1024xf32, #tpu.memory_space<hbm>>)
    %add3A_379 = arith.constant 184 : i32
    %add3A_380 = arith.addi %mul3A_2, %add3A_379 : i32
    %dma_start3A_381 = arith.constant 1 : i32
    %dma_start3A_382 = arith.constant 0 : i32
    %dma_start3A_383 = arith.constant 0 : i32
    %dma_start3A_384 = tpu.memref_slice %arg5[%dma_start3A_382, %dma_start3A_383] : memref<56x1024xf32, #tpu.memory_space<vmem>> -> memref<56x1024xf32, #tpu.memory_space<vmem>>
    %dma_start3A_385 = arith.constant 0 : i32
    %dma_start3A_386 = tpu.memref_slice %arg2[%add3A_380, %dma_start3A_385] : memref<8192x1024xf32, #tpu.memory_space<hbm>> -> memref<56x1024xf32, #tpu.memory_space<hbm>>
    %dma_start3A_387 = tpu.memref_slice %arg6[%dma_start3A_381] : memref<2x!tpu.dma_semaphore, #tpu.memory_space<semaphore_mem>> -> memref<1x!tpu.dma_semaphore, #tpu.memory_space<semaphore_mem>>
    %dma_start3A_388 = tpu.memref_squeeze %dma_start3A_387 : memref<1x!tpu.dma_semaphore, #tpu.memory_space<semaphore_mem>> -> memref<!tpu.dma_semaphore, #tpu.memory_space<semaphore_mem>>
    %dma_start3A_389 = arith.constant 0 : i32
    %dma_start3A_390 = arith.constant 0 : i32
    %dma_start3A_391 = tpu.memref_slice %arg5[%dma_start3A_389, %dma_start3A_390] : memref<56x1024xf32, #tpu.memory_space<vmem>> -> memref<56x1024xf32, #tpu.memory_space<vmem>>
    %dma_start3A_392 = arith.constant 0 : i32
    %dma_start3A_393 = tpu.memref_slice %arg2[%add3A_380, %dma_start3A_392] : memref<8192x1024xf32, #tpu.memory_space<hbm>> -> memref<56x1024xf32, #tpu.memory_space<hbm>>
    tpu.enqueue_dma source(%dma_start3A_393 : memref<56x1024xf32, #tpu.memory_space<hbm>>) target(%dma_start3A_391 : memref<56x1024xf32, #tpu.memory_space<vmem>>) target_semaphore(%dma_start3A_388 : memref<!tpu.dma_semaphore, #tpu.memory_space<semaphore_mem>>)
    %add3A_394 = arith.constant 120 : i32
    %add3A_395 = arith.addi %mul3A_2, %add3A_394 : i32
    %dma_start3A_396 = arith.constant 0 : i32
    %dma_start3A_397 = arith.constant 0 : i32
    %dma_start3A_398 = arith.constant 0 : i32
    %dma_start3A_399 = arith.constant 0 : i32
    %dma_start3A_400 = tpu.memref_slice %arg4[%dma_start3A_398, %dma_start3A_399] : memref<64x1024xf32, #tpu.memory_space<vmem>> -> memref<64x1024xf32, #tpu.memory_space<vmem>>
    %dma_start3A_401 = arith.constant 0 : i32
    %dma_start3A_402 = tpu.memref_slice %arg3[%dma_start3A_396, %add3A_395, %dma_start3A_401] : memref<4x8192x1024xf32, #tpu.memory_space<hbm>> -> memref<1x64x1024xf32, #tpu.memory_space<hbm>>
    %dma_start3A_403 = tpu.memref_squeeze %dma_start3A_402 : memref<1x64x1024xf32, #tpu.memory_space<hbm>> -> memref<64x1024xf32, #tpu.memory_space<hbm>>
    %dma_start3A_404 = tpu.memref_slice %arg7[%dma_start3A_397] : memref<2x!tpu.dma_semaphore, #tpu.memory_space<semaphore_mem>> -> memref<1x!tpu.dma_semaphore, #tpu.memory_space<semaphore_mem>>
    %dma_start3A_405 = tpu.memref_squeeze %dma_start3A_404 : memref<1x!tpu.dma_semaphore, #tpu.memory_space<semaphore_mem>> -> memref<!tpu.dma_semaphore, #tpu.memory_space<semaphore_mem>>
    %dma_start3A_406 = arith.constant 0 : i32
    %dma_start3A_407 = tpu.memref_slice %arg3[%dma_start3A_396, %add3A_395, %dma_start3A_406] : memref<4x8192x1024xf32, #tpu.memory_space<hbm>> -> memref<1x64x1024xf32, #tpu.memory_space<hbm>>
    %dma_start3A_408 = tpu.memref_squeeze %dma_start3A_407 : memref<1x64x1024xf32, #tpu.memory_space<hbm>> -> memref<64x1024xf32, #tpu.memory_space<hbm>>
    %dma_start3A_409 = arith.constant 0 : i32
    %dma_start3A_410 = arith.constant 0 : i32
    %dma_start3A_411 = tpu.memref_slice %arg4[%dma_start3A_409, %dma_start3A_410] : memref<64x1024xf32, #tpu.memory_space<vmem>> -> memref<64x1024xf32, #tpu.memory_space<vmem>>
    tpu.enqueue_dma source(%dma_start3A_411 : memref<64x1024xf32, #tpu.memory_space<vmem>>) target(%dma_start3A_408 : memref<64x1024xf32, #tpu.memory_space<hbm>>) target_semaphore(%dma_start3A_405 : memref<!tpu.dma_semaphore, #tpu.memory_space<semaphore_mem>>)
    %add3A_412 = arith.constant 120 : i32
    %add3A_413 = arith.addi %mul3A_2, %add3A_412 : i32
    %dma_start3A_414 = arith.constant 1 : i32
    %dma_start3A_415 = arith.constant 0 : i32
    %dma_start3A_416 = arith.constant 0 : i32
    %dma_start3A_417 = arith.constant 0 : i32
    %dma_start3A_418 = tpu.memref_slice %arg4[%dma_start3A_416, %dma_start3A_417] : memref<64x1024xf32, #tpu.memory_space<vmem>> -> memref<64x1024xf32, #tpu.memory_space<vmem>>
    %dma_start3A_419 = arith.constant 0 : i32
    %dma_start3A_420 = tpu.memref_slice %arg3[%dma_start3A_414, %add3A_413, %dma_start3A_419] : memref<4x8192x1024xf32, #tpu.memory_space<hbm>> -> memref<1x64x1024xf32, #tpu.memory_space<hbm>>
    %dma_start3A_421 = tpu.memref_squeeze %dma_start3A_420 : memref<1x64x1024xf32, #tpu.memory_space<hbm>> -> memref<64x1024xf32, #tpu.memory_space<hbm>>
    %dma_start3A_422 = tpu.memref_slice %arg7[%dma_start3A_415] : memref<2x!tpu.dma_semaphore, #tpu.memory_space<semaphore_mem>> -> memref<1x!tpu.dma_semaphore, #tpu.memory_space<semaphore_mem>>
    %dma_start3A_423 = tpu.memref_squeeze %dma_start3A_422 : memref<1x!tpu.dma_semaphore, #tpu.memory_space<semaphore_mem>> -> memref<!tpu.dma_semaphore, #tpu.memory_space<semaphore_mem>>
    %dma_start3A_424 = arith.constant 0 : i32
    %dma_start3A_425 = tpu.memref_slice %arg3[%dma_start3A_414, %add3A_413, %dma_start3A_424] : memref<4x8192x1024xf32, #tpu.memory_space<hbm>> -> memref<1x64x1024xf32, #tpu.memory_space<hbm>>
    %dma_start3A_426 = tpu.memref_squeeze %dma_start3A_425 : memref<1x64x1024xf32, #tpu.memory_space<hbm>> -> memref<64x1024xf32, #tpu.memory_space<hbm>>
    %dma_start3A_427 = arith.constant 0 : i32
    %dma_start3A_428 = arith.constant 0 : i32
    %dma_start3A_429 = tpu.memref_slice %arg4[%dma_start3A_427, %dma_start3A_428] : memref<64x1024xf32, #tpu.memory_space<vmem>> -> memref<64x1024xf32, #tpu.memory_space<vmem>>
    tpu.enqueue_dma source(%dma_start3A_429 : memref<64x1024xf32, #tpu.memory_space<vmem>>) target(%dma_start3A_426 : memref<64x1024xf32, #tpu.memory_space<hbm>>) target_semaphore(%dma_start3A_423 : memref<!tpu.dma_semaphore, #tpu.memory_space<semaphore_mem>>)
    %add3A_430 = arith.constant 120 : i32
    %add3A_431 = arith.addi %mul3A_2, %add3A_430 : i32
    %dma_start3A_432 = arith.constant 2 : i32
    %dma_start3A_433 = arith.constant 0 : i32
    %dma_start3A_434 = arith.constant 0 : i32
    %dma_start3A_435 = arith.constant 0 : i32
    %dma_start3A_436 = tpu.memref_slice %arg4[%dma_start3A_434, %dma_start3A_435] : memref<64x1024xf32, #tpu.memory_space<vmem>> -> memref<64x1024xf32, #tpu.memory_space<vmem>>
    %dma_start3A_437 = arith.constant 0 : i32
    %dma_start3A_438 = tpu.memref_slice %arg3[%dma_start3A_432, %add3A_431, %dma_start3A_437] : memref<4x8192x1024xf32, #tpu.memory_space<hbm>> -> memref<1x64x1024xf32, #tpu.memory_space<hbm>>
    %dma_start3A_439 = tpu.memref_squeeze %dma_start3A_438 : memref<1x64x1024xf32, #tpu.memory_space<hbm>> -> memref<64x1024xf32, #tpu.memory_space<hbm>>
    %dma_start3A_440 = tpu.memref_slice %arg7[%dma_start3A_433] : memref<2x!tpu.dma_semaphore, #tpu.memory_space<semaphore_mem>> -> memref<1x!tpu.dma_semaphore, #tpu.memory_space<semaphore_mem>>
    %dma_start3A_441 = tpu.memref_squeeze %dma_start3A_440 : memref<1x!tpu.dma_semaphore, #tpu.memory_space<semaphore_mem>> -> memref<!tpu.dma_semaphore, #tpu.memory_space<semaphore_mem>>
    %dma_start3A_442 = arith.constant 0 : i32
    %dma_start3A_443 = tpu.memref_slice %arg3[%dma_start3A_432, %add3A_431, %dma_start3A_442] : memref<4x8192x1024xf32, #tpu.memory_space<hbm>> -> memref<1x64x1024xf32, #tpu.memory_space<hbm>>
    %dma_start3A_444 = tpu.memref_squeeze %dma_start3A_443 : memref<1x64x1024xf32, #tpu.memory_space<hbm>> -> memref<64x1024xf32, #tpu.memory_space<hbm>>
    %dma_start3A_445 = arith.constant 0 : i32
    %dma_start3A_446 = arith.constant 0 : i32
    %dma_start3A_447 = tpu.memref_slice %arg4[%dma_start3A_445, %dma_start3A_446] : memref<64x1024xf32, #tpu.memory_space<vmem>> -> memref<64x1024xf32, #tpu.memory_space<vmem>>
    tpu.enqueue_dma source(%dma_start3A_447 : memref<64x1024xf32, #tpu.memory_space<vmem>>) target(%dma_start3A_444 : memref<64x1024xf32, #tpu.memory_space<hbm>>) target_semaphore(%dma_start3A_441 : memref<!tpu.dma_semaphore, #tpu.memory_space<semaphore_mem>>)
    %add3A_448 = arith.constant 120 : i32
    %add3A_449 = arith.addi %mul3A_2, %add3A_448 : i32
    %dma_start3A_450 = arith.constant 3 : i32
    %dma_start3A_451 = arith.constant 0 : i32
    %dma_start3A_452 = arith.constant 0 : i32
    %dma_start3A_453 = arith.constant 0 : i32
    %dma_start3A_454 = tpu.memref_slice %arg4[%dma_start3A_452, %dma_start3A_453] : memref<64x1024xf32, #tpu.memory_space<vmem>> -> memref<64x1024xf32, #tpu.memory_space<vmem>>
    %dma_start3A_455 = arith.constant 0 : i32
    %dma_start3A_456 = tpu.memref_slice %arg3[%dma_start3A_450, %add3A_449, %dma_start3A_455] : memref<4x8192x1024xf32, #tpu.memory_space<hbm>> -> memref<1x64x1024xf32, #tpu.memory_space<hbm>>
    %dma_start3A_457 = tpu.memref_squeeze %dma_start3A_456 : memref<1x64x1024xf32, #tpu.memory_space<hbm>> -> memref<64x1024xf32, #tpu.memory_space<hbm>>
    %dma_start3A_458 = tpu.memref_slice %arg7[%dma_start3A_451] : memref<2x!tpu.dma_semaphore, #tpu.memory_space<semaphore_mem>> -> memref<1x!tpu.dma_semaphore, #tpu.memory_space<semaphore_mem>>
    %dma_start3A_459 = tpu.memref_squeeze %dma_start3A_458 : memref<1x!tpu.dma_semaphore, #tpu.memory_space<semaphore_mem>> -> memref<!tpu.dma_semaphore, #tpu.memory_space<semaphore_mem>>
    %dma_start3A_460 = arith.constant 0 : i32
    %dma_start3A_461 = tpu.memref_slice %arg3[%dma_start3A_450, %add3A_449, %dma_start3A_460] : memref<4x8192x1024xf32, #tpu.memory_space<hbm>> -> memref<1x64x1024xf32, #tpu.memory_space<hbm>>
    %dma_start3A_462 = tpu.memref_squeeze %dma_start3A_461 : memref<1x64x1024xf32, #tpu.memory_space<hbm>> -> memref<64x1024xf32, #tpu.memory_space<hbm>>
    %dma_start3A_463 = arith.constant 0 : i32
    %dma_start3A_464 = arith.constant 0 : i32
    %dma_start3A_465 = tpu.memref_slice %arg4[%dma_start3A_463, %dma_start3A_464] : memref<64x1024xf32, #tpu.memory_space<vmem>> -> memref<64x1024xf32, #tpu.memory_space<vmem>>
    tpu.enqueue_dma source(%dma_start3A_465 : memref<64x1024xf32, #tpu.memory_space<vmem>>) target(%dma_start3A_462 : memref<64x1024xf32, #tpu.memory_space<hbm>>) target_semaphore(%dma_start3A_459 : memref<!tpu.dma_semaphore, #tpu.memory_space<semaphore_mem>>)
    %add3A_466 = arith.constant 184 : i32
    %add3A_467 = arith.addi %mul3A_2, %add3A_466 : i32
    %dma_wait3A_468 = arith.constant 1 : i32
    %dma_wait3A_469 = arith.constant 0 : i32
    %dma_wait3A_470 = arith.constant 0 : i32
    %dma_wait3A_471 = tpu.memref_slice %arg5[%dma_wait3A_469, %dma_wait3A_470] : memref<56x1024xf32, #tpu.memory_space<vmem>> -> memref<56x1024xf32, #tpu.memory_space<vmem>>
    %dma_wait3A_472 = arith.constant 0 : i32
    %dma_wait3A_473 = tpu.memref_slice %arg2[%add3A_467, %dma_wait3A_472] : memref<8192x1024xf32, #tpu.memory_space<hbm>> -> memref<56x1024xf32, #tpu.memory_space<hbm>>
    %dma_wait3A_474 = tpu.memref_slice %arg6[%dma_wait3A_468] : memref<2x!tpu.dma_semaphore, #tpu.memory_space<semaphore_mem>> -> memref<1x!tpu.dma_semaphore, #tpu.memory_space<semaphore_mem>>
    %dma_wait3A_475 = tpu.memref_squeeze %dma_wait3A_474 : memref<1x!tpu.dma_semaphore, #tpu.memory_space<semaphore_mem>> -> memref<!tpu.dma_semaphore, #tpu.memory_space<semaphore_mem>>
    %dma_wait3A_476 = arith.constant 0 : i32
    %dma_wait3A_477 = arith.constant 0 : i32
    %dma_wait3A_478 = tpu.memref_slice %arg5[%dma_wait3A_476, %dma_wait3A_477] : memref<56x1024xf32, #tpu.memory_space<vmem>> -> memref<56x1024xf32, #tpu.memory_space<vmem>>
    %dma_wait3A_479 = arith.constant 0 : i32
    %dma_wait3A_480 = tpu.memref_slice %arg2[%add3A_467, %dma_wait3A_479] : memref<8192x1024xf32, #tpu.memory_space<hbm>> -> memref<56x1024xf32, #tpu.memory_space<hbm>>
    tpu.wait_dma2 semaphore(%dma_wait3A_475 : memref<!tpu.dma_semaphore, #tpu.memory_space<semaphore_mem>>) src(%dma_wait3A_480 : memref<56x1024xf32, #tpu.memory_space<hbm>>) dst(%dma_wait3A_478 : memref<56x1024xf32, #tpu.memory_space<vmem>>)
    %add3A_481 = arith.constant 120 : i32
    %add3A_482 = arith.addi %mul3A_2, %add3A_481 : i32
    %dma_wait3A_483 = arith.constant 0 : i32
    %dma_wait3A_484 = arith.constant 0 : i32
    %dma_wait3A_485 = arith.constant 0 : i32
    %dma_wait3A_486 = arith.constant 0 : i32
    %dma_wait3A_487 = tpu.memref_slice %arg4[%dma_wait3A_485, %dma_wait3A_486] : memref<64x1024xf32, #tpu.memory_space<vmem>> -> memref<64x1024xf32, #tpu.memory_space<vmem>>
    %dma_wait3A_488 = arith.constant 0 : i32
    %dma_wait3A_489 = tpu.memref_slice %arg3[%dma_wait3A_483, %add3A_482, %dma_wait3A_488] : memref<4x8192x1024xf32, #tpu.memory_space<hbm>> -> memref<1x64x1024xf32, #tpu.memory_space<hbm>>
    %dma_wait3A_490 = tpu.memref_squeeze %dma_wait3A_489 : memref<1x64x1024xf32, #tpu.memory_space<hbm>> -> memref<64x1024xf32, #tpu.memory_space<hbm>>
    %dma_wait3A_491 = tpu.memref_slice %arg7[%dma_wait3A_484] : memref<2x!tpu.dma_semaphore, #tpu.memory_space<semaphore_mem>> -> memref<1x!tpu.dma_semaphore, #tpu.memory_space<semaphore_mem>>
    %dma_wait3A_492 = tpu.memref_squeeze %dma_wait3A_491 : memref<1x!tpu.dma_semaphore, #tpu.memory_space<semaphore_mem>> -> memref<!tpu.dma_semaphore, #tpu.memory_space<semaphore_mem>>
    %dma_wait3A_493 = arith.constant 0 : i32
    %dma_wait3A_494 = tpu.memref_slice %arg3[%dma_wait3A_483, %add3A_482, %dma_wait3A_493] : memref<4x8192x1024xf32, #tpu.memory_space<hbm>> -> memref<1x64x1024xf32, #tpu.memory_space<hbm>>
    %dma_wait3A_495 = tpu.memref_squeeze %dma_wait3A_494 : memref<1x64x1024xf32, #tpu.memory_space<hbm>> -> memref<64x1024xf32, #tpu.memory_space<hbm>>
    %dma_wait3A_496 = arith.constant 0 : i32
    %dma_wait3A_497 = arith.constant 0 : i32
    %dma_wait3A_498 = tpu.memref_slice %arg4[%dma_wait3A_496, %dma_wait3A_497] : memref<64x1024xf32, #tpu.memory_space<vmem>> -> memref<64x1024xf32, #tpu.memory_space<vmem>>
    tpu.wait_dma2 semaphore(%dma_wait3A_492 : memref<!tpu.dma_semaphore, #tpu.memory_space<semaphore_mem>>) src(%dma_wait3A_498 : memref<64x1024xf32, #tpu.memory_space<vmem>>) dst(%dma_wait3A_495 : memref<64x1024xf32, #tpu.memory_space<hbm>>)
    %add3A_499 = arith.constant 120 : i32
    %add3A_500 = arith.addi %mul3A_2, %add3A_499 : i32
    %dma_wait3A_501 = arith.constant 1 : i32
    %dma_wait3A_502 = arith.constant 0 : i32
    %dma_wait3A_503 = arith.constant 0 : i32
    %dma_wait3A_504 = arith.constant 0 : i32
    %dma_wait3A_505 = tpu.memref_slice %arg4[%dma_wait3A_503, %dma_wait3A_504] : memref<64x1024xf32, #tpu.memory_space<vmem>> -> memref<64x1024xf32, #tpu.memory_space<vmem>>
    %dma_wait3A_506 = arith.constant 0 : i32
    %dma_wait3A_507 = tpu.memref_slice %arg3[%dma_wait3A_501, %add3A_500, %dma_wait3A_506] : memref<4x8192x1024xf32, #tpu.memory_space<hbm>> -> memref<1x64x1024xf32, #tpu.memory_space<hbm>>
    %dma_wait3A_508 = tpu.memref_squeeze %dma_wait3A_507 : memref<1x64x1024xf32, #tpu.memory_space<hbm>> -> memref<64x1024xf32, #tpu.memory_space<hbm>>
    %dma_wait3A_509 = tpu.memref_slice %arg7[%dma_wait3A_502] : memref<2x!tpu.dma_semaphore, #tpu.memory_space<semaphore_mem>> -> memref<1x!tpu.dma_semaphore, #tpu.memory_space<semaphore_mem>>
    %dma_wait3A_510 = tpu.memref_squeeze %dma_wait3A_509 : memref<1x!tpu.dma_semaphore, #tpu.memory_space<semaphore_mem>> -> memref<!tpu.dma_semaphore, #tpu.memory_space<semaphore_mem>>
    %dma_wait3A_511 = arith.constant 0 : i32
    %dma_wait3A_512 = tpu.memref_slice %arg3[%dma_wait3A_501, %add3A_500, %dma_wait3A_511] : memref<4x8192x1024xf32, #tpu.memory_space<hbm>> -> memref<1x64x1024xf32, #tpu.memory_space<hbm>>
    %dma_wait3A_513 = tpu.memref_squeeze %dma_wait3A_512 : memref<1x64x1024xf32, #tpu.memory_space<hbm>> -> memref<64x1024xf32, #tpu.memory_space<hbm>>
    %dma_wait3A_514 = arith.constant 0 : i32
    %dma_wait3A_515 = arith.constant 0 : i32
    %dma_wait3A_516 = tpu.memref_slice %arg4[%dma_wait3A_514, %dma_wait3A_515] : memref<64x1024xf32, #tpu.memory_space<vmem>> -> memref<64x1024xf32, #tpu.memory_space<vmem>>
    tpu.wait_dma2 semaphore(%dma_wait3A_510 : memref<!tpu.dma_semaphore, #tpu.memory_space<semaphore_mem>>) src(%dma_wait3A_516 : memref<64x1024xf32, #tpu.memory_space<vmem>>) dst(%dma_wait3A_513 : memref<64x1024xf32, #tpu.memory_space<hbm>>)
    %add3A_517 = arith.constant 120 : i32
    %add3A_518 = arith.addi %mul3A_2, %add3A_517 : i32
    %dma_wait3A_519 = arith.constant 2 : i32
    %dma_wait3A_520 = arith.constant 0 : i32
    %dma_wait3A_521 = arith.constant 0 : i32
    %dma_wait3A_522 = arith.constant 0 : i32
    %dma_wait3A_523 = tpu.memref_slice %arg4[%dma_wait3A_521, %dma_wait3A_522] : memref<64x1024xf32, #tpu.memory_space<vmem>> -> memref<64x1024xf32, #tpu.memory_space<vmem>>
    %dma_wait3A_524 = arith.constant 0 : i32
    %dma_wait3A_525 = tpu.memref_slice %arg3[%dma_wait3A_519, %add3A_518, %dma_wait3A_524] : memref<4x8192x1024xf32, #tpu.memory_space<hbm>> -> memref<1x64x1024xf32, #tpu.memory_space<hbm>>
    %dma_wait3A_526 = tpu.memref_squeeze %dma_wait3A_525 : memref<1x64x1024xf32, #tpu.memory_space<hbm>> -> memref<64x1024xf32, #tpu.memory_space<hbm>>
    %dma_wait3A_527 = tpu.memref_slice %arg7[%dma_wait3A_520] : memref<2x!tpu.dma_semaphore, #tpu.memory_space<semaphore_mem>> -> memref<1x!tpu.dma_semaphore, #tpu.memory_space<semaphore_mem>>
    %dma_wait3A_528 = tpu.memref_squeeze %dma_wait3A_527 : memref<1x!tpu.dma_semaphore, #tpu.memory_space<semaphore_mem>> -> memref<!tpu.dma_semaphore, #tpu.memory_space<semaphore_mem>>
    %dma_wait3A_529 = arith.constant 0 : i32
    %dma_wait3A_530 = tpu.memref_slice %arg3[%dma_wait3A_519, %add3A_518, %dma_wait3A_529] : memref<4x8192x1024xf32, #tpu.memory_space<hbm>> -> memref<1x64x1024xf32, #tpu.memory_space<hbm>>
    %dma_wait3A_531 = tpu.memref_squeeze %dma_wait3A_530 : memref<1x64x1024xf32, #tpu.memory_space<hbm>> -> memref<64x1024xf32, #tpu.memory_space<hbm>>
    %dma_wait3A_532 = arith.constant 0 : i32
    %dma_wait3A_533 = arith.constant 0 : i32
    %dma_wait3A_534 = tpu.memref_slice %arg4[%dma_wait3A_532, %dma_wait3A_533] : memref<64x1024xf32, #tpu.memory_space<vmem>> -> memref<64x1024xf32, #tpu.memory_space<vmem>>
    tpu.wait_dma2 semaphore(%dma_wait3A_528 : memref<!tpu.dma_semaphore, #tpu.memory_space<semaphore_mem>>) src(%dma_wait3A_534 : memref<64x1024xf32, #tpu.memory_space<vmem>>) dst(%dma_wait3A_531 : memref<64x1024xf32, #tpu.memory_space<hbm>>)
    %add3A_535 = arith.constant 120 : i32
    %add3A_536 = arith.addi %mul3A_2, %add3A_535 : i32
    %dma_wait3A_537 = arith.constant 3 : i32
    %dma_wait3A_538 = arith.constant 0 : i32
    %dma_wait3A_539 = arith.constant 0 : i32
    %dma_wait3A_540 = arith.constant 0 : i32
    %dma_wait3A_541 = tpu.memref_slice %arg4[%dma_wait3A_539, %dma_wait3A_540] : memref<64x1024xf32, #tpu.memory_space<vmem>> -> memref<64x1024xf32, #tpu.memory_space<vmem>>
    %dma_wait3A_542 = arith.constant 0 : i32
    %dma_wait3A_543 = tpu.memref_slice %arg3[%dma_wait3A_537, %add3A_536, %dma_wait3A_542] : memref<4x8192x1024xf32, #tpu.memory_space<hbm>> -> memref<1x64x1024xf32, #tpu.memory_space<hbm>>
    %dma_wait3A_544 = tpu.memref_squeeze %dma_wait3A_543 : memref<1x64x1024xf32, #tpu.memory_space<hbm>> -> memref<64x1024xf32, #tpu.memory_space<hbm>>
    %dma_wait3A_545 = tpu.memref_slice %arg7[%dma_wait3A_538] : memref<2x!tpu.dma_semaphore, #tpu.memory_space<semaphore_mem>> -> memref<1x!tpu.dma_semaphore, #tpu.memory_space<semaphore_mem>>
    %dma_wait3A_546 = tpu.memref_squeeze %dma_wait3A_545 : memref<1x!tpu.dma_semaphore, #tpu.memory_space<semaphore_mem>> -> memref<!tpu.dma_semaphore, #tpu.memory_space<semaphore_mem>>
    %dma_wait3A_547 = arith.constant 0 : i32
    %dma_wait3A_548 = tpu.memref_slice %arg3[%dma_wait3A_537, %add3A_536, %dma_wait3A_547] : memref<4x8192x1024xf32, #tpu.memory_space<hbm>> -> memref<1x64x1024xf32, #tpu.memory_space<hbm>>
    %dma_wait3A_549 = tpu.memref_squeeze %dma_wait3A_548 : memref<1x64x1024xf32, #tpu.memory_space<hbm>> -> memref<64x1024xf32, #tpu.memory_space<hbm>>
    %dma_wait3A_550 = arith.constant 0 : i32
    %dma_wait3A_551 = arith.constant 0 : i32
    %dma_wait3A_552 = tpu.memref_slice %arg4[%dma_wait3A_550, %dma_wait3A_551] : memref<64x1024xf32, #tpu.memory_space<vmem>> -> memref<64x1024xf32, #tpu.memory_space<vmem>>
    tpu.wait_dma2 semaphore(%dma_wait3A_546 : memref<!tpu.dma_semaphore, #tpu.memory_space<semaphore_mem>>) src(%dma_wait3A_552 : memref<64x1024xf32, #tpu.memory_space<vmem>>) dst(%dma_wait3A_549 : memref<64x1024xf32, #tpu.memory_space<hbm>>)
    %add3A_553 = arith.constant 240 : i32
    %add3A_554 = arith.addi %mul3A_2, %add3A_553 : i32
    %dma_start3A_555 = arith.constant 0 : i32
    %dma_start3A_556 = arith.constant 0 : i32
    %dma_start3A_557 = arith.constant 0 : i32
    %dma_start3A_558 = tpu.memref_slice %arg4[%dma_start3A_556, %dma_start3A_557] : memref<64x1024xf32, #tpu.memory_space<vmem>> -> memref<16x1024xf32, #tpu.memory_space<vmem>>
    %dma_start3A_559 = arith.constant 0 : i32
    %dma_start3A_560 = tpu.memref_slice %arg2[%add3A_554, %dma_start3A_559] : memref<8192x1024xf32, #tpu.memory_space<hbm>> -> memref<16x1024xf32, #tpu.memory_space<hbm>>
    %dma_start3A_561 = tpu.memref_slice %arg6[%dma_start3A_555] : memref<2x!tpu.dma_semaphore, #tpu.memory_space<semaphore_mem>> -> memref<1x!tpu.dma_semaphore, #tpu.memory_space<semaphore_mem>>
    %dma_start3A_562 = tpu.memref_squeeze %dma_start3A_561 : memref<1x!tpu.dma_semaphore, #tpu.memory_space<semaphore_mem>> -> memref<!tpu.dma_semaphore, #tpu.memory_space<semaphore_mem>>
    %dma_start3A_563 = arith.constant 0 : i32
    %dma_start3A_564 = arith.constant 0 : i32
    %dma_start3A_565 = tpu.memref_slice %arg4[%dma_start3A_563, %dma_start3A_564] : memref<64x1024xf32, #tpu.memory_space<vmem>> -> memref<16x1024xf32, #tpu.memory_space<vmem>>
    %dma_start3A_566 = arith.constant 0 : i32
    %dma_start3A_567 = tpu.memref_slice %arg2[%add3A_554, %dma_start3A_566] : memref<8192x1024xf32, #tpu.memory_space<hbm>> -> memref<16x1024xf32, #tpu.memory_space<hbm>>
    tpu.enqueue_dma source(%dma_start3A_567 : memref<16x1024xf32, #tpu.memory_space<hbm>>) target(%dma_start3A_565 : memref<16x1024xf32, #tpu.memory_space<vmem>>) target_semaphore(%dma_start3A_562 : memref<!tpu.dma_semaphore, #tpu.memory_space<semaphore_mem>>)
    %add3A_568 = arith.constant 184 : i32
    %add3A_569 = arith.addi %mul3A_2, %add3A_568 : i32
    %dma_start3A_570 = arith.constant 0 : i32
    %dma_start3A_571 = arith.constant 1 : i32
    %dma_start3A_572 = arith.constant 0 : i32
    %dma_start3A_573 = arith.constant 0 : i32
    %dma_start3A_574 = tpu.memref_slice %arg5[%dma_start3A_572, %dma_start3A_573] : memref<56x1024xf32, #tpu.memory_space<vmem>> -> memref<56x1024xf32, #tpu.memory_space<vmem>>
    %dma_start3A_575 = arith.constant 0 : i32
    %dma_start3A_576 = tpu.memref_slice %arg3[%dma_start3A_570, %add3A_569, %dma_start3A_575] : memref<4x8192x1024xf32, #tpu.memory_space<hbm>> -> memref<1x56x1024xf32, #tpu.memory_space<hbm>>
    %dma_start3A_577 = tpu.memref_squeeze %dma_start3A_576 : memref<1x56x1024xf32, #tpu.memory_space<hbm>> -> memref<56x1024xf32, #tpu.memory_space<hbm>>
    %dma_start3A_578 = tpu.memref_slice %arg7[%dma_start3A_571] : memref<2x!tpu.dma_semaphore, #tpu.memory_space<semaphore_mem>> -> memref<1x!tpu.dma_semaphore, #tpu.memory_space<semaphore_mem>>
    %dma_start3A_579 = tpu.memref_squeeze %dma_start3A_578 : memref<1x!tpu.dma_semaphore, #tpu.memory_space<semaphore_mem>> -> memref<!tpu.dma_semaphore, #tpu.memory_space<semaphore_mem>>
    %dma_start3A_580 = arith.constant 0 : i32
    %dma_start3A_581 = tpu.memref_slice %arg3[%dma_start3A_570, %add3A_569, %dma_start3A_580] : memref<4x8192x1024xf32, #tpu.memory_space<hbm>> -> memref<1x56x1024xf32, #tpu.memory_space<hbm>>
    %dma_start3A_582 = tpu.memref_squeeze %dma_start3A_581 : memref<1x56x1024xf32, #tpu.memory_space<hbm>> -> memref<56x1024xf32, #tpu.memory_space<hbm>>
    %dma_start3A_583 = arith.constant 0 : i32
    %dma_start3A_584 = arith.constant 0 : i32
    %dma_start3A_585 = tpu.memref_slice %arg5[%dma_start3A_583, %dma_start3A_584] : memref<56x1024xf32, #tpu.memory_space<vmem>> -> memref<56x1024xf32, #tpu.memory_space<vmem>>
    tpu.enqueue_dma source(%dma_start3A_585 : memref<56x1024xf32, #tpu.memory_space<vmem>>) target(%dma_start3A_582 : memref<56x1024xf32, #tpu.memory_space<hbm>>) target_semaphore(%dma_start3A_579 : memref<!tpu.dma_semaphore, #tpu.memory_space<semaphore_mem>>)
    %add3A_586 = arith.constant 184 : i32
    %add3A_587 = arith.addi %mul3A_2, %add3A_586 : i32
    %dma_start3A_588 = arith.constant 1 : i32
    %dma_start3A_589 = arith.constant 1 : i32
    %dma_start3A_590 = arith.constant 0 : i32
    %dma_start3A_591 = arith.constant 0 : i32
    %dma_start3A_592 = tpu.memref_slice %arg5[%dma_start3A_590, %dma_start3A_591] : memref<56x1024xf32, #tpu.memory_space<vmem>> -> memref<56x1024xf32, #tpu.memory_space<vmem>>
    %dma_start3A_593 = arith.constant 0 : i32
    %dma_start3A_594 = tpu.memref_slice %arg3[%dma_start3A_588, %add3A_587, %dma_start3A_593] : memref<4x8192x1024xf32, #tpu.memory_space<hbm>> -> memref<1x56x1024xf32, #tpu.memory_space<hbm>>
    %dma_start3A_595 = tpu.memref_squeeze %dma_start3A_594 : memref<1x56x1024xf32, #tpu.memory_space<hbm>> -> memref<56x1024xf32, #tpu.memory_space<hbm>>
    %dma_start3A_596 = tpu.memref_slice %arg7[%dma_start3A_589] : memref<2x!tpu.dma_semaphore, #tpu.memory_space<semaphore_mem>> -> memref<1x!tpu.dma_semaphore, #tpu.memory_space<semaphore_mem>>
    %dma_start3A_597 = tpu.memref_squeeze %dma_start3A_596 : memref<1x!tpu.dma_semaphore, #tpu.memory_space<semaphore_mem>> -> memref<!tpu.dma_semaphore, #tpu.memory_space<semaphore_mem>>
    %dma_start3A_598 = arith.constant 0 : i32
    %dma_start3A_599 = tpu.memref_slice %arg3[%dma_start3A_588, %add3A_587, %dma_start3A_598] : memref<4x8192x1024xf32, #tpu.memory_space<hbm>> -> memref<1x56x1024xf32, #tpu.memory_space<hbm>>
    %dma_start3A_600 = tpu.memref_squeeze %dma_start3A_599 : memref<1x56x1024xf32, #tpu.memory_space<hbm>> -> memref<56x1024xf32, #tpu.memory_space<hbm>>
    %dma_start3A_601 = arith.constant 0 : i32
    %dma_start3A_602 = arith.constant 0 : i32
    %dma_start3A_603 = tpu.memref_slice %arg5[%dma_start3A_601, %dma_start3A_602] : memref<56x1024xf32, #tpu.memory_space<vmem>> -> memref<56x1024xf32, #tpu.memory_space<vmem>>
    tpu.enqueue_dma source(%dma_start3A_603 : memref<56x1024xf32, #tpu.memory_space<vmem>>) target(%dma_start3A_600 : memref<56x1024xf32, #tpu.memory_space<hbm>>) target_semaphore(%dma_start3A_597 : memref<!tpu.dma_semaphore, #tpu.memory_space<semaphore_mem>>)
    %add3A_604 = arith.constant 184 : i32
    %add3A_605 = arith.addi %mul3A_2, %add3A_604 : i32
    %dma_start3A_606 = arith.constant 2 : i32
    %dma_start3A_607 = arith.constant 1 : i32
    %dma_start3A_608 = arith.constant 0 : i32
    %dma_start3A_609 = arith.constant 0 : i32
    %dma_start3A_610 = tpu.memref_slice %arg5[%dma_start3A_608, %dma_start3A_609] : memref<56x1024xf32, #tpu.memory_space<vmem>> -> memref<56x1024xf32, #tpu.memory_space<vmem>>
    %dma_start3A_611 = arith.constant 0 : i32
    %dma_start3A_612 = tpu.memref_slice %arg3[%dma_start3A_606, %add3A_605, %dma_start3A_611] : memref<4x8192x1024xf32, #tpu.memory_space<hbm>> -> memref<1x56x1024xf32, #tpu.memory_space<hbm>>
    %dma_start3A_613 = tpu.memref_squeeze %dma_start3A_612 : memref<1x56x1024xf32, #tpu.memory_space<hbm>> -> memref<56x1024xf32, #tpu.memory_space<hbm>>
    %dma_start3A_614 = tpu.memref_slice %arg7[%dma_start3A_607] : memref<2x!tpu.dma_semaphore, #tpu.memory_space<semaphore_mem>> -> memref<1x!tpu.dma_semaphore, #tpu.memory_space<semaphore_mem>>
    %dma_start3A_615 = tpu.memref_squeeze %dma_start3A_614 : memref<1x!tpu.dma_semaphore, #tpu.memory_space<semaphore_mem>> -> memref<!tpu.dma_semaphore, #tpu.memory_space<semaphore_mem>>
    %dma_start3A_616 = arith.constant 0 : i32
    %dma_start3A_617 = tpu.memref_slice %arg3[%dma_start3A_606, %add3A_605, %dma_start3A_616] : memref<4x8192x1024xf32, #tpu.memory_space<hbm>> -> memref<1x56x1024xf32, #tpu.memory_space<hbm>>
    %dma_start3A_618 = tpu.memref_squeeze %dma_start3A_617 : memref<1x56x1024xf32, #tpu.memory_space<hbm>> -> memref<56x1024xf32, #tpu.memory_space<hbm>>
    %dma_start3A_619 = arith.constant 0 : i32
    %dma_start3A_620 = arith.constant 0 : i32
    %dma_start3A_621 = tpu.memref_slice %arg5[%dma_start3A_619, %dma_start3A_620] : memref<56x1024xf32, #tpu.memory_space<vmem>> -> memref<56x1024xf32, #tpu.memory_space<vmem>>
    tpu.enqueue_dma source(%dma_start3A_621 : memref<56x1024xf32, #tpu.memory_space<vmem>>) target(%dma_start3A_618 : memref<56x1024xf32, #tpu.memory_space<hbm>>) target_semaphore(%dma_start3A_615 : memref<!tpu.dma_semaphore, #tpu.memory_space<semaphore_mem>>)
    %add3A_622 = arith.constant 184 : i32
    %add3A_623 = arith.addi %mul3A_2, %add3A_622 : i32
    %dma_start3A_624 = arith.constant 3 : i32
    %dma_start3A_625 = arith.constant 1 : i32
    %dma_start3A_626 = arith.constant 0 : i32
    %dma_start3A_627 = arith.constant 0 : i32
    %dma_start3A_628 = tpu.memref_slice %arg5[%dma_start3A_626, %dma_start3A_627] : memref<56x1024xf32, #tpu.memory_space<vmem>> -> memref<56x1024xf32, #tpu.memory_space<vmem>>
    %dma_start3A_629 = arith.constant 0 : i32
    %dma_start3A_630 = tpu.memref_slice %arg3[%dma_start3A_624, %add3A_623, %dma_start3A_629] : memref<4x8192x1024xf32, #tpu.memory_space<hbm>> -> memref<1x56x1024xf32, #tpu.memory_space<hbm>>
    %dma_start3A_631 = tpu.memref_squeeze %dma_start3A_630 : memref<1x56x1024xf32, #tpu.memory_space<hbm>> -> memref<56x1024xf32, #tpu.memory_space<hbm>>
    %dma_start3A_632 = tpu.memref_slice %arg7[%dma_start3A_625] : memref<2x!tpu.dma_semaphore, #tpu.memory_space<semaphore_mem>> -> memref<1x!tpu.dma_semaphore, #tpu.memory_space<semaphore_mem>>
    %dma_start3A_633 = tpu.memref_squeeze %dma_start3A_632 : memref<1x!tpu.dma_semaphore, #tpu.memory_space<semaphore_mem>> -> memref<!tpu.dma_semaphore, #tpu.memory_space<semaphore_mem>>
    %dma_start3A_634 = arith.constant 0 : i32
    %dma_start3A_635 = tpu.memref_slice %arg3[%dma_start3A_624, %add3A_623, %dma_start3A_634] : memref<4x8192x1024xf32, #tpu.memory_space<hbm>> -> memref<1x56x1024xf32, #tpu.memory_space<hbm>>
    %dma_start3A_636 = tpu.memref_squeeze %dma_start3A_635 : memref<1x56x1024xf32, #tpu.memory_space<hbm>> -> memref<56x1024xf32, #tpu.memory_space<hbm>>
    %dma_start3A_637 = arith.constant 0 : i32
    %dma_start3A_638 = arith.constant 0 : i32
    %dma_start3A_639 = tpu.memref_slice %arg5[%dma_start3A_637, %dma_start3A_638] : memref<56x1024xf32, #tpu.memory_space<vmem>> -> memref<56x1024xf32, #tpu.memory_space<vmem>>
    tpu.enqueue_dma source(%dma_start3A_639 : memref<56x1024xf32, #tpu.memory_space<vmem>>) target(%dma_start3A_636 : memref<56x1024xf32, #tpu.memory_space<hbm>>) target_semaphore(%dma_start3A_633 : memref<!tpu.dma_semaphore, #tpu.memory_space<semaphore_mem>>)
    %add3A_640 = arith.constant 240 : i32
    %add3A_641 = arith.addi %mul3A_2, %add3A_640 : i32
    %dma_wait3A_642 = arith.constant 0 : i32
    %dma_wait3A_643 = arith.constant 0 : i32
    %dma_wait3A_644 = arith.constant 0 : i32
    %dma_wait3A_645 = tpu.memref_slice %arg4[%dma_wait3A_643, %dma_wait3A_644] : memref<64x1024xf32, #tpu.memory_space<vmem>> -> memref<16x1024xf32, #tpu.memory_space<vmem>>
    %dma_wait3A_646 = arith.constant 0 : i32
    %dma_wait3A_647 = tpu.memref_slice %arg2[%add3A_641, %dma_wait3A_646] : memref<8192x1024xf32, #tpu.memory_space<hbm>> -> memref<16x1024xf32, #tpu.memory_space<hbm>>
    %dma_wait3A_648 = tpu.memref_slice %arg6[%dma_wait3A_642] : memref<2x!tpu.dma_semaphore, #tpu.memory_space<semaphore_mem>> -> memref<1x!tpu.dma_semaphore, #tpu.memory_space<semaphore_mem>>
    %dma_wait3A_649 = tpu.memref_squeeze %dma_wait3A_648 : memref<1x!tpu.dma_semaphore, #tpu.memory_space<semaphore_mem>> -> memref<!tpu.dma_semaphore, #tpu.memory_space<semaphore_mem>>
    %dma_wait3A_650 = arith.constant 0 : i32
    %dma_wait3A_651 = arith.constant 0 : i32
    %dma_wait3A_652 = tpu.memref_slice %arg4[%dma_wait3A_650, %dma_wait3A_651] : memref<64x1024xf32, #tpu.memory_space<vmem>> -> memref<16x1024xf32, #tpu.memory_space<vmem>>
    %dma_wait3A_653 = arith.constant 0 : i32
    %dma_wait3A_654 = tpu.memref_slice %arg2[%add3A_641, %dma_wait3A_653] : memref<8192x1024xf32, #tpu.memory_space<hbm>> -> memref<16x1024xf32, #tpu.memory_space<hbm>>
    tpu.wait_dma2 semaphore(%dma_wait3A_649 : memref<!tpu.dma_semaphore, #tpu.memory_space<semaphore_mem>>) src(%dma_wait3A_654 : memref<16x1024xf32, #tpu.memory_space<hbm>>) dst(%dma_wait3A_652 : memref<16x1024xf32, #tpu.memory_space<vmem>>)
    %add3A_655 = arith.constant 240 : i32
    %add3A_656 = arith.addi %mul3A_2, %add3A_655 : i32
    %dma_start3A_657 = arith.constant 0 : i32
    %dma_start3A_658 = arith.constant 0 : i32
    %dma_start3A_659 = arith.constant 0 : i32
    %dma_start3A_660 = arith.constant 0 : i32
    %dma_start3A_661 = tpu.memref_slice %arg4[%dma_start3A_659, %dma_start3A_660] : memref<64x1024xf32, #tpu.memory_space<vmem>> -> memref<16x1024xf32, #tpu.memory_space<vmem>>
    %dma_start3A_662 = arith.constant 0 : i32
    %dma_start3A_663 = tpu.memref_slice %arg3[%dma_start3A_657, %add3A_656, %dma_start3A_662] : memref<4x8192x1024xf32, #tpu.memory_space<hbm>> -> memref<1x16x1024xf32, #tpu.memory_space<hbm>>
    %dma_start3A_664 = tpu.memref_squeeze %dma_start3A_663 : memref<1x16x1024xf32, #tpu.memory_space<hbm>> -> memref<16x1024xf32, #tpu.memory_space<hbm>>
    %dma_start3A_665 = tpu.memref_slice %arg7[%dma_start3A_658] : memref<2x!tpu.dma_semaphore, #tpu.memory_space<semaphore_mem>> -> memref<1x!tpu.dma_semaphore, #tpu.memory_space<semaphore_mem>>
    %dma_start3A_666 = tpu.memref_squeeze %dma_start3A_665 : memref<1x!tpu.dma_semaphore, #tpu.memory_space<semaphore_mem>> -> memref<!tpu.dma_semaphore, #tpu.memory_space<semaphore_mem>>
    %dma_start3A_667 = arith.constant 0 : i32
    %dma_start3A_668 = tpu.memref_slice %arg3[%dma_start3A_657, %add3A_656, %dma_start3A_667] : memref<4x8192x1024xf32, #tpu.memory_space<hbm>> -> memref<1x16x1024xf32, #tpu.memory_space<hbm>>
    %dma_start3A_669 = tpu.memref_squeeze %dma_start3A_668 : memref<1x16x1024xf32, #tpu.memory_space<hbm>> -> memref<16x1024xf32, #tpu.memory_space<hbm>>
    %dma_start3A_670 = arith.constant 0 : i32
    %dma_start3A_671 = arith.constant 0 : i32
    %dma_start3A_672 = tpu.memref_slice %arg4[%dma_start3A_670, %dma_start3A_671] : memref<64x1024xf32, #tpu.memory_space<vmem>> -> memref<16x1024xf32, #tpu.memory_space<vmem>>
    tpu.enqueue_dma source(%dma_start3A_672 : memref<16x1024xf32, #tpu.memory_space<vmem>>) target(%dma_start3A_669 : memref<16x1024xf32, #tpu.memory_space<hbm>>) target_semaphore(%dma_start3A_666 : memref<!tpu.dma_semaphore, #tpu.memory_space<semaphore_mem>>)
    %add3A_673 = arith.constant 240 : i32
    %add3A_674 = arith.addi %mul3A_2, %add3A_673 : i32
    %dma_start3A_675 = arith.constant 1 : i32
    %dma_start3A_676 = arith.constant 0 : i32
    %dma_start3A_677 = arith.constant 0 : i32
    %dma_start3A_678 = arith.constant 0 : i32
    %dma_start3A_679 = tpu.memref_slice %arg4[%dma_start3A_677, %dma_start3A_678] : memref<64x1024xf32, #tpu.memory_space<vmem>> -> memref<16x1024xf32, #tpu.memory_space<vmem>>
    %dma_start3A_680 = arith.constant 0 : i32
    %dma_start3A_681 = tpu.memref_slice %arg3[%dma_start3A_675, %add3A_674, %dma_start3A_680] : memref<4x8192x1024xf32, #tpu.memory_space<hbm>> -> memref<1x16x1024xf32, #tpu.memory_space<hbm>>
    %dma_start3A_682 = tpu.memref_squeeze %dma_start3A_681 : memref<1x16x1024xf32, #tpu.memory_space<hbm>> -> memref<16x1024xf32, #tpu.memory_space<hbm>>
    %dma_start3A_683 = tpu.memref_slice %arg7[%dma_start3A_676] : memref<2x!tpu.dma_semaphore, #tpu.memory_space<semaphore_mem>> -> memref<1x!tpu.dma_semaphore, #tpu.memory_space<semaphore_mem>>
    %dma_start3A_684 = tpu.memref_squeeze %dma_start3A_683 : memref<1x!tpu.dma_semaphore, #tpu.memory_space<semaphore_mem>> -> memref<!tpu.dma_semaphore, #tpu.memory_space<semaphore_mem>>
    %dma_start3A_685 = arith.constant 0 : i32
    %dma_start3A_686 = tpu.memref_slice %arg3[%dma_start3A_675, %add3A_674, %dma_start3A_685] : memref<4x8192x1024xf32, #tpu.memory_space<hbm>> -> memref<1x16x1024xf32, #tpu.memory_space<hbm>>
    %dma_start3A_687 = tpu.memref_squeeze %dma_start3A_686 : memref<1x16x1024xf32, #tpu.memory_space<hbm>> -> memref<16x1024xf32, #tpu.memory_space<hbm>>
    %dma_start3A_688 = arith.constant 0 : i32
    %dma_start3A_689 = arith.constant 0 : i32
    %dma_start3A_690 = tpu.memref_slice %arg4[%dma_start3A_688, %dma_start3A_689] : memref<64x1024xf32, #tpu.memory_space<vmem>> -> memref<16x1024xf32, #tpu.memory_space<vmem>>
    tpu.enqueue_dma source(%dma_start3A_690 : memref<16x1024xf32, #tpu.memory_space<vmem>>) target(%dma_start3A_687 : memref<16x1024xf32, #tpu.memory_space<hbm>>) target_semaphore(%dma_start3A_684 : memref<!tpu.dma_semaphore, #tpu.memory_space<semaphore_mem>>)
    %add3A_691 = arith.constant 240 : i32
    %add3A_692 = arith.addi %mul3A_2, %add3A_691 : i32
    %dma_start3A_693 = arith.constant 2 : i32
    %dma_start3A_694 = arith.constant 0 : i32
    %dma_start3A_695 = arith.constant 0 : i32
    %dma_start3A_696 = arith.constant 0 : i32
    %dma_start3A_697 = tpu.memref_slice %arg4[%dma_start3A_695, %dma_start3A_696] : memref<64x1024xf32, #tpu.memory_space<vmem>> -> memref<16x1024xf32, #tpu.memory_space<vmem>>
    %dma_start3A_698 = arith.constant 0 : i32
    %dma_start3A_699 = tpu.memref_slice %arg3[%dma_start3A_693, %add3A_692, %dma_start3A_698] : memref<4x8192x1024xf32, #tpu.memory_space<hbm>> -> memref<1x16x1024xf32, #tpu.memory_space<hbm>>
    %dma_start3A_700 = tpu.memref_squeeze %dma_start3A_699 : memref<1x16x1024xf32, #tpu.memory_space<hbm>> -> memref<16x1024xf32, #tpu.memory_space<hbm>>
    %dma_start3A_701 = tpu.memref_slice %arg7[%dma_start3A_694] : memref<2x!tpu.dma_semaphore, #tpu.memory_space<semaphore_mem>> -> memref<1x!tpu.dma_semaphore, #tpu.memory_space<semaphore_mem>>
    %dma_start3A_702 = tpu.memref_squeeze %dma_start3A_701 : memref<1x!tpu.dma_semaphore, #tpu.memory_space<semaphore_mem>> -> memref<!tpu.dma_semaphore, #tpu.memory_space<semaphore_mem>>
    %dma_start3A_703 = arith.constant 0 : i32
    %dma_start3A_704 = tpu.memref_slice %arg3[%dma_start3A_693, %add3A_692, %dma_start3A_703] : memref<4x8192x1024xf32, #tpu.memory_space<hbm>> -> memref<1x16x1024xf32, #tpu.memory_space<hbm>>
    %dma_start3A_705 = tpu.memref_squeeze %dma_start3A_704 : memref<1x16x1024xf32, #tpu.memory_space<hbm>> -> memref<16x1024xf32, #tpu.memory_space<hbm>>
    %dma_start3A_706 = arith.constant 0 : i32
    %dma_start3A_707 = arith.constant 0 : i32
    %dma_start3A_708 = tpu.memref_slice %arg4[%dma_start3A_706, %dma_start3A_707] : memref<64x1024xf32, #tpu.memory_space<vmem>> -> memref<16x1024xf32, #tpu.memory_space<vmem>>
    tpu.enqueue_dma source(%dma_start3A_708 : memref<16x1024xf32, #tpu.memory_space<vmem>>) target(%dma_start3A_705 : memref<16x1024xf32, #tpu.memory_space<hbm>>) target_semaphore(%dma_start3A_702 : memref<!tpu.dma_semaphore, #tpu.memory_space<semaphore_mem>>)
    %add3A_709 = arith.constant 240 : i32
    %add3A_710 = arith.addi %mul3A_2, %add3A_709 : i32
    %dma_start3A_711 = arith.constant 3 : i32
    %dma_start3A_712 = arith.constant 0 : i32
    %dma_start3A_713 = arith.constant 0 : i32
    %dma_start3A_714 = arith.constant 0 : i32
    %dma_start3A_715 = tpu.memref_slice %arg4[%dma_start3A_713, %dma_start3A_714] : memref<64x1024xf32, #tpu.memory_space<vmem>> -> memref<16x1024xf32, #tpu.memory_space<vmem>>
    %dma_start3A_716 = arith.constant 0 : i32
    %dma_start3A_717 = tpu.memref_slice %arg3[%dma_start3A_711, %add3A_710, %dma_start3A_716] : memref<4x8192x1024xf32, #tpu.memory_space<hbm>> -> memref<1x16x1024xf32, #tpu.memory_space<hbm>>
    %dma_start3A_718 = tpu.memref_squeeze %dma_start3A_717 : memref<1x16x1024xf32, #tpu.memory_space<hbm>> -> memref<16x1024xf32, #tpu.memory_space<hbm>>
    %dma_start3A_719 = tpu.memref_slice %arg7[%dma_start3A_712] : memref<2x!tpu.dma_semaphore, #tpu.memory_space<semaphore_mem>> -> memref<1x!tpu.dma_semaphore, #tpu.memory_space<semaphore_mem>>
    %dma_start3A_720 = tpu.memref_squeeze %dma_start3A_719 : memref<1x!tpu.dma_semaphore, #tpu.memory_space<semaphore_mem>> -> memref<!tpu.dma_semaphore, #tpu.memory_space<semaphore_mem>>
    %dma_start3A_721 = arith.constant 0 : i32
    %dma_start3A_722 = tpu.memref_slice %arg3[%dma_start3A_711, %add3A_710, %dma_start3A_721] : memref<4x8192x1024xf32, #tpu.memory_space<hbm>> -> memref<1x16x1024xf32, #tpu.memory_space<hbm>>
    %dma_start3A_723 = tpu.memref_squeeze %dma_start3A_722 : memref<1x16x1024xf32, #tpu.memory_space<hbm>> -> memref<16x1024xf32, #tpu.memory_space<hbm>>
    %dma_start3A_724 = arith.constant 0 : i32
    %dma_start3A_725 = arith.constant 0 : i32
    %dma_start3A_726 = tpu.memref_slice %arg4[%dma_start3A_724, %dma_start3A_725] : memref<64x1024xf32, #tpu.memory_space<vmem>> -> memref<16x1024xf32, #tpu.memory_space<vmem>>
    tpu.enqueue_dma source(%dma_start3A_726 : memref<16x1024xf32, #tpu.memory_space<vmem>>) target(%dma_start3A_723 : memref<16x1024xf32, #tpu.memory_space<hbm>>) target_semaphore(%dma_start3A_720 : memref<!tpu.dma_semaphore, #tpu.memory_space<semaphore_mem>>)
    %add3A_727 = arith.constant 184 : i32
    %add3A_728 = arith.addi %mul3A_2, %add3A_727 : i32
    %dma_wait3A_729 = arith.constant 0 : i32
    %dma_wait3A_730 = arith.constant 1 : i32
    %dma_wait3A_731 = arith.constant 0 : i32
    %dma_wait3A_732 = arith.constant 0 : i32
    %dma_wait3A_733 = tpu.memref_slice %arg5[%dma_wait3A_731, %dma_wait3A_732] : memref<56x1024xf32, #tpu.memory_space<vmem>> -> memref<56x1024xf32, #tpu.memory_space<vmem>>
    %dma_wait3A_734 = arith.constant 0 : i32
    %dma_wait3A_735 = tpu.memref_slice %arg3[%dma_wait3A_729, %add3A_728, %dma_wait3A_734] : memref<4x8192x1024xf32, #tpu.memory_space<hbm>> -> memref<1x56x1024xf32, #tpu.memory_space<hbm>>
    %dma_wait3A_736 = tpu.memref_squeeze %dma_wait3A_735 : memref<1x56x1024xf32, #tpu.memory_space<hbm>> -> memref<56x1024xf32, #tpu.memory_space<hbm>>
    %dma_wait3A_737 = tpu.memref_slice %arg7[%dma_wait3A_730] : memref<2x!tpu.dma_semaphore, #tpu.memory_space<semaphore_mem>> -> memref<1x!tpu.dma_semaphore, #tpu.memory_space<semaphore_mem>>
    %dma_wait3A_738 = tpu.memref_squeeze %dma_wait3A_737 : memref<1x!tpu.dma_semaphore, #tpu.memory_space<semaphore_mem>> -> memref<!tpu.dma_semaphore, #tpu.memory_space<semaphore_mem>>
    %dma_wait3A_739 = arith.constant 0 : i32
    %dma_wait3A_740 = tpu.memref_slice %arg3[%dma_wait3A_729, %add3A_728, %dma_wait3A_739] : memref<4x8192x1024xf32, #tpu.memory_space<hbm>> -> memref<1x56x1024xf32, #tpu.memory_space<hbm>>
    %dma_wait3A_741 = tpu.memref_squeeze %dma_wait3A_740 : memref<1x56x1024xf32, #tpu.memory_space<hbm>> -> memref<56x1024xf32, #tpu.memory_space<hbm>>
    %dma_wait3A_742 = arith.constant 0 : i32
    %dma_wait3A_743 = arith.constant 0 : i32
    %dma_wait3A_744 = tpu.memref_slice %arg5[%dma_wait3A_742, %dma_wait3A_743] : memref<56x1024xf32, #tpu.memory_space<vmem>> -> memref<56x1024xf32, #tpu.memory_space<vmem>>
    tpu.wait_dma2 semaphore(%dma_wait3A_738 : memref<!tpu.dma_semaphore, #tpu.memory_space<semaphore_mem>>) src(%dma_wait3A_744 : memref<56x1024xf32, #tpu.memory_space<vmem>>) dst(%dma_wait3A_741 : memref<56x1024xf32, #tpu.memory_space<hbm>>)
    %add3A_745 = arith.constant 184 : i32
    %add3A_746 = arith.addi %mul3A_2, %add3A_745 : i32
    %dma_wait3A_747 = arith.constant 1 : i32
    %dma_wait3A_748 = arith.constant 1 : i32
    %dma_wait3A_749 = arith.constant 0 : i32
    %dma_wait3A_750 = arith.constant 0 : i32
    %dma_wait3A_751 = tpu.memref_slice %arg5[%dma_wait3A_749, %dma_wait3A_750] : memref<56x1024xf32, #tpu.memory_space<vmem>> -> memref<56x1024xf32, #tpu.memory_space<vmem>>
    %dma_wait3A_752 = arith.constant 0 : i32
    %dma_wait3A_753 = tpu.memref_slice %arg3[%dma_wait3A_747, %add3A_746, %dma_wait3A_752] : memref<4x8192x1024xf32, #tpu.memory_space<hbm>> -> memref<1x56x1024xf32, #tpu.memory_space<hbm>>
    %dma_wait3A_754 = tpu.memref_squeeze %dma_wait3A_753 : memref<1x56x1024xf32, #tpu.memory_space<hbm>> -> memref<56x1024xf32, #tpu.memory_space<hbm>>
    %dma_wait3A_755 = tpu.memref_slice %arg7[%dma_wait3A_748] : memref<2x!tpu.dma_semaphore, #tpu.memory_space<semaphore_mem>> -> memref<1x!tpu.dma_semaphore, #tpu.memory_space<semaphore_mem>>
    %dma_wait3A_756 = tpu.memref_squeeze %dma_wait3A_755 : memref<1x!tpu.dma_semaphore, #tpu.memory_space<semaphore_mem>> -> memref<!tpu.dma_semaphore, #tpu.memory_space<semaphore_mem>>
    %dma_wait3A_757 = arith.constant 0 : i32
    %dma_wait3A_758 = tpu.memref_slice %arg3[%dma_wait3A_747, %add3A_746, %dma_wait3A_757] : memref<4x8192x1024xf32, #tpu.memory_space<hbm>> -> memref<1x56x1024xf32, #tpu.memory_space<hbm>>
    %dma_wait3A_759 = tpu.memref_squeeze %dma_wait3A_758 : memref<1x56x1024xf32, #tpu.memory_space<hbm>> -> memref<56x1024xf32, #tpu.memory_space<hbm>>
    %dma_wait3A_760 = arith.constant 0 : i32
    %dma_wait3A_761 = arith.constant 0 : i32
    %dma_wait3A_762 = tpu.memref_slice %arg5[%dma_wait3A_760, %dma_wait3A_761] : memref<56x1024xf32, #tpu.memory_space<vmem>> -> memref<56x1024xf32, #tpu.memory_space<vmem>>
    tpu.wait_dma2 semaphore(%dma_wait3A_756 : memref<!tpu.dma_semaphore, #tpu.memory_space<semaphore_mem>>) src(%dma_wait3A_762 : memref<56x1024xf32, #tpu.memory_space<vmem>>) dst(%dma_wait3A_759 : memref<56x1024xf32, #tpu.memory_space<hbm>>)
    %add3A_763 = arith.constant 184 : i32
    %add3A_764 = arith.addi %mul3A_2, %add3A_763 : i32
    %dma_wait3A_765 = arith.constant 2 : i32
    %dma_wait3A_766 = arith.constant 1 : i32
    %dma_wait3A_767 = arith.constant 0 : i32
    %dma_wait3A_768 = arith.constant 0 : i32
    %dma_wait3A_769 = tpu.memref_slice %arg5[%dma_wait3A_767, %dma_wait3A_768] : memref<56x1024xf32, #tpu.memory_space<vmem>> -> memref<56x1024xf32, #tpu.memory_space<vmem>>
    %dma_wait3A_770 = arith.constant 0 : i32
    %dma_wait3A_771 = tpu.memref_slice %arg3[%dma_wait3A_765, %add3A_764, %dma_wait3A_770] : memref<4x8192x1024xf32, #tpu.memory_space<hbm>> -> memref<1x56x1024xf32, #tpu.memory_space<hbm>>
    %dma_wait3A_772 = tpu.memref_squeeze %dma_wait3A_771 : memref<1x56x1024xf32, #tpu.memory_space<hbm>> -> memref<56x1024xf32, #tpu.memory_space<hbm>>
    %dma_wait3A_773 = tpu.memref_slice %arg7[%dma_wait3A_766] : memref<2x!tpu.dma_semaphore, #tpu.memory_space<semaphore_mem>> -> memref<1x!tpu.dma_semaphore, #tpu.memory_space<semaphore_mem>>
    %dma_wait3A_774 = tpu.memref_squeeze %dma_wait3A_773 : memref<1x!tpu.dma_semaphore, #tpu.memory_space<semaphore_mem>> -> memref<!tpu.dma_semaphore, #tpu.memory_space<semaphore_mem>>
    %dma_wait3A_775 = arith.constant 0 : i32
    %dma_wait3A_776 = tpu.memref_slice %arg3[%dma_wait3A_765, %add3A_764, %dma_wait3A_775] : memref<4x8192x1024xf32, #tpu.memory_space<hbm>> -> memref<1x56x1024xf32, #tpu.memory_space<hbm>>
    %dma_wait3A_777 = tpu.memref_squeeze %dma_wait3A_776 : memref<1x56x1024xf32, #tpu.memory_space<hbm>> -> memref<56x1024xf32, #tpu.memory_space<hbm>>
    %dma_wait3A_778 = arith.constant 0 : i32
    %dma_wait3A_779 = arith.constant 0 : i32
    %dma_wait3A_780 = tpu.memref_slice %arg5[%dma_wait3A_778, %dma_wait3A_779] : memref<56x1024xf32, #tpu.memory_space<vmem>> -> memref<56x1024xf32, #tpu.memory_space<vmem>>
    tpu.wait_dma2 semaphore(%dma_wait3A_774 : memref<!tpu.dma_semaphore, #tpu.memory_space<semaphore_mem>>) src(%dma_wait3A_780 : memref<56x1024xf32, #tpu.memory_space<vmem>>) dst(%dma_wait3A_777 : memref<56x1024xf32, #tpu.memory_space<hbm>>)
    %add3A_781 = arith.constant 184 : i32
    %add3A_782 = arith.addi %mul3A_2, %add3A_781 : i32
    %dma_wait3A_783 = arith.constant 3 : i32
    %dma_wait3A_784 = arith.constant 1 : i32
    %dma_wait3A_785 = arith.constant 0 : i32
    %dma_wait3A_786 = arith.constant 0 : i32
    %dma_wait3A_787 = tpu.memref_slice %arg5[%dma_wait3A_785, %dma_wait3A_786] : memref<56x1024xf32, #tpu.memory_space<vmem>> -> memref<56x1024xf32, #tpu.memory_space<vmem>>
    %dma_wait3A_788 = arith.constant 0 : i32
    %dma_wait3A_789 = tpu.memref_slice %arg3[%dma_wait3A_783, %add3A_782, %dma_wait3A_788] : memref<4x8192x1024xf32, #tpu.memory_space<hbm>> -> memref<1x56x1024xf32, #tpu.memory_space<hbm>>
    %dma_wait3A_790 = tpu.memref_squeeze %dma_wait3A_789 : memref<1x56x1024xf32, #tpu.memory_space<hbm>> -> memref<56x1024xf32, #tpu.memory_space<hbm>>
    %dma_wait3A_791 = tpu.memref_slice %arg7[%dma_wait3A_784] : memref<2x!tpu.dma_semaphore, #tpu.memory_space<semaphore_mem>> -> memref<1x!tpu.dma_semaphore, #tpu.memory_space<semaphore_mem>>
    %dma_wait3A_792 = tpu.memref_squeeze %dma_wait3A_791 : memref<1x!tpu.dma_semaphore, #tpu.memory_space<semaphore_mem>> -> memref<!tpu.dma_semaphore, #tpu.memory_space<semaphore_mem>>
    %dma_wait3A_793 = arith.constant 0 : i32
    %dma_wait3A_794 = tpu.memref_slice %arg3[%dma_wait3A_783, %add3A_782, %dma_wait3A_793] : memref<4x8192x1024xf32, #tpu.memory_space<hbm>> -> memref<1x56x1024xf32, #tpu.memory_space<hbm>>
    %dma_wait3A_795 = tpu.memref_squeeze %dma_wait3A_794 : memref<1x56x1024xf32, #tpu.memory_space<hbm>> -> memref<56x1024xf32, #tpu.memory_space<hbm>>
    %dma_wait3A_796 = arith.constant 0 : i32
    %dma_wait3A_797 = arith.constant 0 : i32
    %dma_wait3A_798 = tpu.memref_slice %arg5[%dma_wait3A_796, %dma_wait3A_797] : memref<56x1024xf32, #tpu.memory_space<vmem>> -> memref<56x1024xf32, #tpu.memory_space<vmem>>
    tpu.wait_dma2 semaphore(%dma_wait3A_792 : memref<!tpu.dma_semaphore, #tpu.memory_space<semaphore_mem>>) src(%dma_wait3A_798 : memref<56x1024xf32, #tpu.memory_space<vmem>>) dst(%dma_wait3A_795 : memref<56x1024xf32, #tpu.memory_space<hbm>>)
    %add3A_799 = arith.constant 240 : i32
    %add3A_800 = arith.addi %mul3A_2, %add3A_799 : i32
    %dma_wait3A_801 = arith.constant 0 : i32
    %dma_wait3A_802 = arith.constant 0 : i32
    %dma_wait3A_803 = arith.constant 0 : i32
    %dma_wait3A_804 = arith.constant 0 : i32
    %dma_wait3A_805 = tpu.memref_slice %arg4[%dma_wait3A_803, %dma_wait3A_804] : memref<64x1024xf32, #tpu.memory_space<vmem>> -> memref<16x1024xf32, #tpu.memory_space<vmem>>
    %dma_wait3A_806 = arith.constant 0 : i32
    %dma_wait3A_807 = tpu.memref_slice %arg3[%dma_wait3A_801, %add3A_800, %dma_wait3A_806] : memref<4x8192x1024xf32, #tpu.memory_space<hbm>> -> memref<1x16x1024xf32, #tpu.memory_space<hbm>>
    %dma_wait3A_808 = tpu.memref_squeeze %dma_wait3A_807 : memref<1x16x1024xf32, #tpu.memory_space<hbm>> -> memref<16x1024xf32, #tpu.memory_space<hbm>>
    %dma_wait3A_809 = tpu.memref_slice %arg7[%dma_wait3A_802] : memref<2x!tpu.dma_semaphore, #tpu.memory_space<semaphore_mem>> -> memref<1x!tpu.dma_semaphore, #tpu.memory_space<semaphore_mem>>
    %dma_wait3A_810 = tpu.memref_squeeze %dma_wait3A_809 : memref<1x!tpu.dma_semaphore, #tpu.memory_space<semaphore_mem>> -> memref<!tpu.dma_semaphore, #tpu.memory_space<semaphore_mem>>
    %dma_wait3A_811 = arith.constant 0 : i32
    %dma_wait3A_812 = tpu.memref_slice %arg3[%dma_wait3A_801, %add3A_800, %dma_wait3A_811] : memref<4x8192x1024xf32, #tpu.memory_space<hbm>> -> memref<1x16x1024xf32, #tpu.memory_space<hbm>>
    %dma_wait3A_813 = tpu.memref_squeeze %dma_wait3A_812 : memref<1x16x1024xf32, #tpu.memory_space<hbm>> -> memref<16x1024xf32, #tpu.memory_space<hbm>>
    %dma_wait3A_814 = arith.constant 0 : i32
    %dma_wait3A_815 = arith.constant 0 : i32
    %dma_wait3A_816 = tpu.memref_slice %arg4[%dma_wait3A_814, %dma_wait3A_815] : memref<64x1024xf32, #tpu.memory_space<vmem>> -> memref<16x1024xf32, #tpu.memory_space<vmem>>
    tpu.wait_dma2 semaphore(%dma_wait3A_810 : memref<!tpu.dma_semaphore, #tpu.memory_space<semaphore_mem>>) src(%dma_wait3A_816 : memref<16x1024xf32, #tpu.memory_space<vmem>>) dst(%dma_wait3A_813 : memref<16x1024xf32, #tpu.memory_space<hbm>>)
    %add3A_817 = arith.constant 240 : i32
    %add3A_818 = arith.addi %mul3A_2, %add3A_817 : i32
    %dma_wait3A_819 = arith.constant 1 : i32
    %dma_wait3A_820 = arith.constant 0 : i32
    %dma_wait3A_821 = arith.constant 0 : i32
    %dma_wait3A_822 = arith.constant 0 : i32
    %dma_wait3A_823 = tpu.memref_slice %arg4[%dma_wait3A_821, %dma_wait3A_822] : memref<64x1024xf32, #tpu.memory_space<vmem>> -> memref<16x1024xf32, #tpu.memory_space<vmem>>
    %dma_wait3A_824 = arith.constant 0 : i32
    %dma_wait3A_825 = tpu.memref_slice %arg3[%dma_wait3A_819, %add3A_818, %dma_wait3A_824] : memref<4x8192x1024xf32, #tpu.memory_space<hbm>> -> memref<1x16x1024xf32, #tpu.memory_space<hbm>>
    %dma_wait3A_826 = tpu.memref_squeeze %dma_wait3A_825 : memref<1x16x1024xf32, #tpu.memory_space<hbm>> -> memref<16x1024xf32, #tpu.memory_space<hbm>>
    %dma_wait3A_827 = tpu.memref_slice %arg7[%dma_wait3A_820] : memref<2x!tpu.dma_semaphore, #tpu.memory_space<semaphore_mem>> -> memref<1x!tpu.dma_semaphore, #tpu.memory_space<semaphore_mem>>
    %dma_wait3A_828 = tpu.memref_squeeze %dma_wait3A_827 : memref<1x!tpu.dma_semaphore, #tpu.memory_space<semaphore_mem>> -> memref<!tpu.dma_semaphore, #tpu.memory_space<semaphore_mem>>
    %dma_wait3A_829 = arith.constant 0 : i32
    %dma_wait3A_830 = tpu.memref_slice %arg3[%dma_wait3A_819, %add3A_818, %dma_wait3A_829] : memref<4x8192x1024xf32, #tpu.memory_space<hbm>> -> memref<1x16x1024xf32, #tpu.memory_space<hbm>>
    %dma_wait3A_831 = tpu.memref_squeeze %dma_wait3A_830 : memref<1x16x1024xf32, #tpu.memory_space<hbm>> -> memref<16x1024xf32, #tpu.memory_space<hbm>>
    %dma_wait3A_832 = arith.constant 0 : i32
    %dma_wait3A_833 = arith.constant 0 : i32
    %dma_wait3A_834 = tpu.memref_slice %arg4[%dma_wait3A_832, %dma_wait3A_833] : memref<64x1024xf32, #tpu.memory_space<vmem>> -> memref<16x1024xf32, #tpu.memory_space<vmem>>
    tpu.wait_dma2 semaphore(%dma_wait3A_828 : memref<!tpu.dma_semaphore, #tpu.memory_space<semaphore_mem>>) src(%dma_wait3A_834 : memref<16x1024xf32, #tpu.memory_space<vmem>>) dst(%dma_wait3A_831 : memref<16x1024xf32, #tpu.memory_space<hbm>>)
    %add3A_835 = arith.constant 240 : i32
    %add3A_836 = arith.addi %mul3A_2, %add3A_835 : i32
    %dma_wait3A_837 = arith.constant 2 : i32
    %dma_wait3A_838 = arith.constant 0 : i32
    %dma_wait3A_839 = arith.constant 0 : i32
    %dma_wait3A_840 = arith.constant 0 : i32
    %dma_wait3A_841 = tpu.memref_slice %arg4[%dma_wait3A_839, %dma_wait3A_840] : memref<64x1024xf32, #tpu.memory_space<vmem>> -> memref<16x1024xf32, #tpu.memory_space<vmem>>
    %dma_wait3A_842 = arith.constant 0 : i32
    %dma_wait3A_843 = tpu.memref_slice %arg3[%dma_wait3A_837, %add3A_836, %dma_wait3A_842] : memref<4x8192x1024xf32, #tpu.memory_space<hbm>> -> memref<1x16x1024xf32, #tpu.memory_space<hbm>>
    %dma_wait3A_844 = tpu.memref_squeeze %dma_wait3A_843 : memref<1x16x1024xf32, #tpu.memory_space<hbm>> -> memref<16x1024xf32, #tpu.memory_space<hbm>>
    %dma_wait3A_845 = tpu.memref_slice %arg7[%dma_wait3A_838] : memref<2x!tpu.dma_semaphore, #tpu.memory_space<semaphore_mem>> -> memref<1x!tpu.dma_semaphore, #tpu.memory_space<semaphore_mem>>
    %dma_wait3A_846 = tpu.memref_squeeze %dma_wait3A_845 : memref<1x!tpu.dma_semaphore, #tpu.memory_space<semaphore_mem>> -> memref<!tpu.dma_semaphore, #tpu.memory_space<semaphore_mem>>
    %dma_wait3A_847 = arith.constant 0 : i32
    %dma_wait3A_848 = tpu.memref_slice %arg3[%dma_wait3A_837, %add3A_836, %dma_wait3A_847] : memref<4x8192x1024xf32, #tpu.memory_space<hbm>> -> memref<1x16x1024xf32, #tpu.memory_space<hbm>>
    %dma_wait3A_849 = tpu.memref_squeeze %dma_wait3A_848 : memref<1x16x1024xf32, #tpu.memory_space<hbm>> -> memref<16x1024xf32, #tpu.memory_space<hbm>>
    %dma_wait3A_850 = arith.constant 0 : i32
    %dma_wait3A_851 = arith.constant 0 : i32
    %dma_wait3A_852 = tpu.memref_slice %arg4[%dma_wait3A_850, %dma_wait3A_851] : memref<64x1024xf32, #tpu.memory_space<vmem>> -> memref<16x1024xf32, #tpu.memory_space<vmem>>
    tpu.wait_dma2 semaphore(%dma_wait3A_846 : memref<!tpu.dma_semaphore, #tpu.memory_space<semaphore_mem>>) src(%dma_wait3A_852 : memref<16x1024xf32, #tpu.memory_space<vmem>>) dst(%dma_wait3A_849 : memref<16x1024xf32, #tpu.memory_space<hbm>>)
    %add3A_853 = arith.constant 240 : i32
    %add3A_854 = arith.addi %mul3A_2, %add3A_853 : i32
    %dma_wait3A_855 = arith.constant 3 : i32
    %dma_wait3A_856 = arith.constant 0 : i32
    %dma_wait3A_857 = arith.constant 0 : i32
    %dma_wait3A_858 = arith.constant 0 : i32
    %dma_wait3A_859 = tpu.memref_slice %arg4[%dma_wait3A_857, %dma_wait3A_858] : memref<64x1024xf32, #tpu.memory_space<vmem>> -> memref<16x1024xf32, #tpu.memory_space<vmem>>
    %dma_wait3A_860 = arith.constant 0 : i32
    %dma_wait3A_861 = tpu.memref_slice %arg3[%dma_wait3A_855, %add3A_854, %dma_wait3A_860] : memref<4x8192x1024xf32, #tpu.memory_space<hbm>> -> memref<1x16x1024xf32, #tpu.memory_space<hbm>>
    %dma_wait3A_862 = tpu.memref_squeeze %dma_wait3A_861 : memref<1x16x1024xf32, #tpu.memory_space<hbm>> -> memref<16x1024xf32, #tpu.memory_space<hbm>>
    %dma_wait3A_863 = tpu.memref_slice %arg7[%dma_wait3A_856] : memref<2x!tpu.dma_semaphore, #tpu.memory_space<semaphore_mem>> -> memref<1x!tpu.dma_semaphore, #tpu.memory_space<semaphore_mem>>
    %dma_wait3A_864 = tpu.memref_squeeze %dma_wait3A_863 : memref<1x!tpu.dma_semaphore, #tpu.memory_space<semaphore_mem>> -> memref<!tpu.dma_semaphore, #tpu.memory_space<semaphore_mem>>
    %dma_wait3A_865 = arith.constant 0 : i32
    %dma_wait3A_866 = tpu.memref_slice %arg3[%dma_wait3A_855, %add3A_854, %dma_wait3A_865] : memref<4x8192x1024xf32, #tpu.memory_space<hbm>> -> memref<1x16x1024xf32, #tpu.memory_space<hbm>>
    %dma_wait3A_867 = tpu.memref_squeeze %dma_wait3A_866 : memref<1x16x1024xf32, #tpu.memory_space<hbm>> -> memref<16x1024xf32, #tpu.memory_space<hbm>>
    %dma_wait3A_868 = arith.constant 0 : i32
    %dma_wait3A_869 = arith.constant 0 : i32
    %dma_wait3A_870 = tpu.memref_slice %arg4[%dma_wait3A_868, %dma_wait3A_869] : memref<64x1024xf32, #tpu.memory_space<vmem>> -> memref<16x1024xf32, #tpu.memory_space<vmem>>
    tpu.wait_dma2 semaphore(%dma_wait3A_864 : memref<!tpu.dma_semaphore, #tpu.memory_space<semaphore_mem>>) src(%dma_wait3A_870 : memref<16x1024xf32, #tpu.memory_space<vmem>>) dst(%dma_wait3A_867 : memref<16x1024xf32, #tpu.memory_space<hbm>>)
    return
  }
}

</mosaic_0001>

<sc_bundles>
// kernel: kernel.3.cloned.1.call-start
scs
__scs_entry_jumppad:
0x0: {  	(pc) =	sbr.rel $0x88, $3  }
0x1: {  	(tag) =	ssettag $0x0;
	lr =	simm.s32 $0x1  }
0x2: {  	[smem:$0x3FA0] =	sst lr;
	_ =	strace $0xD0000000  }
0x3: {  	_ = 	snop  }
0x4: {  	_ = 	snop  }
0x5: {  	_ = 	snop  }
0x6: {  	_ = 	snop  }
0x7: {  	_ = 	snop  }
__scs_overlays_trampoline_lowered:
0x8: {  	[smem:$0x3FAF] =	sst s0  }
0x9: {  	[smem:$0x3FB0] =	sst s1  }
0xa: {  	[smem:$0x3FB1] =	sst s2  }
0xb: {  	[smem:$0x3FB2] =	sst s3  }
0xc: {  	[smem:$0x3FB3] =	sst s4  }
0xd: {  	[smem:$0x3FB4] =	sst s5  }
0xe: {  	[smem:$0x3FB5] =	sst s6  }
0xf: {  	[smem:$0x3FB6] =	sst s7  }
0x10: {  	[smem:$0x3FB7] =	sst s8  }
0x11: {  	[smem:$0x3FB8] =	sst s9;
	s0 =	simm.s32 @!p0 $0x0  }
0x12: {  	s1 =	sld [smem:$0x3F9E];
	s0 =	simm.s32 @p0 $0x1  }
0x13: {  	[smem:$0x3FB9] =	sst s0;
	s0 =	simm.s32 @!p1 $0x0  }
0x14: {  	s2 =	sld [smem:$0x3F9D];
	s0 =	simm.s32 @p1 $0x1  }
0x15: {  	[smem:$0x3FBA] =	sst s0;
	s0 =	simm.s32 @!p2 $0x0  }
0x16: {  	s3 =	sld [smem:$0x3FDB];
	s0 =	simm.s32 @p2 $0x1  }
0x17: {  	s4 =	simm.s32 $0x1BF5;
	[smem:$0x3FBC] =	sst s0  }
0x18: {  	s0 =	sld [smem:$0x3F9F];
	_ =	swait.ge [sflag:s4], $0x0  }
0x19: {  	s7 =	sld [smem:$0x3FA0]  }
0x1a: {  	s8 =	sadd.s32 $0xFFFFE003, lr  }
0x1b: {  	s9 =	sadd.s32 $0xFFFFFEF7, lr;
	s5 =	simm.s32 $0xFFFFFFFF;
	p2 =	slt.u32 s8, $0xFFFFF086  }
0x1c: {  	p1 =	slt.u32 s9, $0xF7A;
	s5 =	simm.s32 @!p2 $0x0  }
0x1d: {  	s5 =	simm.s32 @p1 $0x1;
	p0 =	seq.s32 s7, s2  }
0x1e: {  	s7 =	smul.u32 @!p0 $0xF7A, s2;
	p2 =	seq.s32 @!p0 s5, $0x0  }
0x1f: {  	s9 =	smul.u32 $0xF7A, s1;
	s8 =	simm.s32 @!p0 $0x1BF5;
	p2 =	por !p2, p0  }
0x20: {  	[sflag:s8] =	ssyncset.s32 @!p0 $0xFFFFF086;
	s6 =	sadd.s32 @!p0 s3, s7;
	s7 =	simm.s32 @!p0 $0x108  }
0x21: {  	s3 =	sadd.s32 s3, s9;
	s6 =	sadd.s32 @!p0 $0x88, s6;
	s7 =	simm.s32 @p2 $0x1082  }
0x22: {  	[simem:s7], [sflag:s8] =	dma.local @!p0 [hbm:s6], $0xF7A  }
0x23: {  	s9 =	sor.u32 $0xD0000000, s2;
	s6 =	simm.s32 $0x108;
	_ =	swait.ge @!p0 [sflag:s8], $0x0  }
0x24: {  	s3 =	sadd.s32 $0x88, s3;
	s6 =	simm.s32 @!p1 $0x1082;
	[sflag:s4] =	ssyncset.s32 $0xFFFFF086  }
0x25: {  	[simem:s6], [sflag:s4] =	dma.local [hbm:s3], $0xF7A  }
0x26: {  	[smem:$0x3FA0] =	sst s1;
	(tag) =	ssettag s2;
	_ =	strace s9  }
0x27: {  	s1 =	sld [smem:$0x3FB0]  }
0x28: {  	s2 =	sld [smem:$0x3FB1]  }
0x29: {  	s4 =	sld [smem:$0x3FB3]  }
0x2a: {  	p0 =	seq.s32 s5, $0x0;
	s5 =	sld [smem:$0x3FB4]  }
0x2b: {  	s6 =	sld [smem:$0x3FB5]  }
0x2c: {  	s7 =	sld [smem:$0x3FB6]  }
0x2d: {  	s3 =	simm.s32 $0x108;
	s8 =	sld [smem:$0x3FB7]  }
0x2e: {  	s3 =	simm.s32 @!p0 $0x1082;
	s9 =	sld [smem:$0x3FB8]  }
0x2f: {  	lr =	sadd.s32 s0, s3;
	s0 =	sld [smem:$0x3FAF]  }
0x30: {  	s3 =	sld [smem:$0x3FB2]  }
0x31: {  	[smem:$0x3FBB] =	sst s10  }
0x32: {  	s10 =	sld [smem:$0x3FB9];
	_ =	sdelay $0x3  }
0x33: {  	p0 =	seq.s32 s10, $0x1;
	s10 =	sld [smem:$0x3FBB];
	_ =	sdelay $0x3  }
0x34: {  	[smem:$0x3FBB] =	sst s10  }
0x35: {  	s10 =	sld [smem:$0x3FBA];
	_ =	sdelay $0x3  }
0x36: {  	p1 =	seq.s32 s10, $0x1;
	s10 =	sld [smem:$0x3FBB];
	_ =	sdelay $0x3  }
0x37: {  	[smem:$0x3FBB] =	sst s10  }
0x38: {  	s10 =	sld [smem:$0x3FBC]  }
0x39: {  	_ = 	snop;
	(pc) =	sbr.ind lr, $3  }
0x3a: {  	_ = 	snop  }
0x3b: {  	_ = 	snop  }
0x3c: {  	p2 =	seq.s32 s10, $0x1;
	s10 =	sld [smem:$0x3FBB]  }
0x3d: {  	_ =	shalt  }
0x3e: {  	_ =	shalt  }
0x3f: {  	_ =	shalt  }
0x40: {  	_ =	shalt  }
0x41: {  	_ =	shalt  }
0x42: {  	_ =	shalt  }
0x43: {  	_ =	shalt  }
0x44: {  	_ =	shalt  }
0x45: {  	_ =	shalt  }
0x46: {  	_ =	shalt  }
0x47: {  	_ =	shalt  }
0x48: {  	_ =	shalt  }
0x49: {  	_ =	shalt  }
0x4a: {  	_ =	shalt  }
0x4b: {  	_ =	shalt  }
0x4c: {  	_ =	shalt  }
0x4d: {  	_ =	shalt  }
0x4e: {  	_ =	shalt  }
0x4f: {  	_ =	shalt  }
0x50: {  	_ =	shalt  }
0x51: {  	_ =	shalt  }
0x52: {  	_ =	shalt  }
0x53: {  	_ =	shalt  }
0x54: {  	_ =	shalt  }
0x55: {  	_ =	shalt  }
0x56: {  	_ =	shalt  }
0x57: {  	_ =	shalt  }
0x58: {  	_ =	shalt  }
0x59: {  	_ =	shalt  }
0x5a: {  	_ =	shalt  }
0x5b: {  	_ =	shalt  }
0x5c: {  	_ =	shalt  }
0x5d: {  	_ =	shalt  }
0x5e: {  	_ =	shalt  }
0x5f: {  	_ =	shalt  }
0x60: {  	_ =	shalt  }
0x61: {  	_ =	shalt  }
0x62: {  	_ =	shalt  }
0x63: {  	_ =	shalt  }
0x64: {  	_ =	shalt  }
0x65: {  	_ =	shalt  }
0x66: {  	_ =	shalt  }
0x67: {  	_ =	shalt  }
0x68: {  	_ =	shalt  }
0x69: {  	_ =	shalt  }
0x6a: {  	_ =	shalt  }
0x6b: {  	_ =	shalt  }
0x6c: {  	_ =	shalt  }
0x6d: {  	_ =	shalt  }
0x6e: {  	_ =	shalt  }
0x6f: {  	_ =	shalt  }
0x70: {  	_ =	shalt  }
0x71: {  	_ =	shalt  }
0x72: {  	_ =	shalt  }
0x73: {  	_ =	shalt  }
0x74: {  	_ =	shalt  }
0x75: {  	_ =	shalt  }
0x76: {  	_ =	shalt  }
0x77: {  	_ =	shalt  }
0x78: {  	_ =	shalt  }
0x79: {  	_ =	shalt  }
0x7a: {  	_ =	shalt  }
0x7b: {  	_ =	shalt  }
0x7c: {  	_ =	shalt  }
0x7d: {  	_ =	shalt  }
0x7e: {  	_ =	shalt  }
0x7f: {  	_ =	shalt  }
0x80: {  	_ =	shalt  }
0x81: {  	_ =	shalt  }
0x82: {  	_ =	shalt  }
0x83: {  	_ =	shalt  }
0x84: {  	_ =	shalt  }
0x85: {  	_ =	shalt  }
0x86: {  	_ =	shalt  }
0x87: {  	_ =	shalt  }
.Lfunc_end0:
.L_simem_size_0:
called_computation_lowered:
.L_overlay_start_0:
0x88: {  	s2 =	sld [smem:$0x3FD9]  }
0x89: {  	s3 =	sld [smem:$0x3FFE];
	_ =	sdelay $0x1  }
0x8a: {  	s1 =	srdreg.scid  }
0x8b: {  	s0 =	sand.u32 $0x1, s1  }
0x8c: {  	s18 =	sshll.u32 s0, $0xA;
	s2 =	sadd.s32 s3, s2  }
0x8d: {  	s2 =	sadd.s32 s2, s18  }
0x8e: {  	[smem:$0x3FC7] =	sst s2  }
0x8f: {  	_ = 	snop  }
0x90: {  	s2 =	sld [smem:$0x3FC9]  }
0x91: {  	s19 =	sld [smem:$0x3FD0];
	(tm) =	ssettm $0x1  }
0x92: {  	s4 =	sld [smem:$0x3FFB];
	_ =	sdelay $0x3  }
0x93: {  	_ =	strace s4  }
0x94: {  	s4 =	sld [smem:$0x3FFC];
	_ =	sdelay $0x3  }
0x95: {  	_ =	strace s4  }
0x96: {  	s4 =	sld [smem:$0x3FFD];
	_ =	sdelay $0x3  }
0x97: {  	_ =	strace s4  }
0x98: {  	_ =	strace $0x8FFFFFFF  }
0x99: {  	s20 =	sld [smem:$0x3FDB];
	_ =	sdelay $0x1  }
0x9a: {  	s5 =	simm.s32 $_scs_section_size  }
0x9b: {  	s6 =	simm.s32 $_size__tile_overlayer_lowered;
	s7 =	simm.s32 $_tile_overlayer_lowered  }
0x9c: {  	s23 =	simm.s32 $0x1BFF;
	s22 =	sshll.u32 s7, $0x1;
	s4 =	sadd.s32 s5, s20  }
0x9d: {  	s8 =	simm.s32 $0x0;
	s21 =	sshll.u32 s6, $0x1;
	s6 =	sadd.s32 s22, s4  }
0x9e: {  	[timem:s8], [sflag:s23] =	dma.local [hbm:s6], s21  }
0x9f: {  	_ =	swait.ge [sflag:s23], s21  }
0xa0: {  	s5 =	ssub.s32 $0x0, s21;
	[sflag:s23] =	ssyncset.done $0x0  }
0xa1: {  	[sflag:s23] =	ssyncadd.s32 s5;
	_ =	sdelay $0x1  }
0xa2: {  	s24 =	simm.s32 $0x1B8B  }
0xa3: {  	_ =	swait.ge [sflag:s24], $0x1  }
0xa4: {  	[sflag:s24] =	ssyncset.done $0x0  }
0xa5: {  	s25 =	simm.s32 $0x1B8E;
	[sflag:s24] =	ssyncadd.s32 $0xFFFFFFFF  }
0xa6: {  	s26 =	simm.s32 $execute0_lowered;
	[smem:$0x3FD2] =	sst s25  }
0xa7: {  	s5 =	sshll.u32 s26, $0x1;
	_ =	strace $0x80000046;
	[dreg:$0x1] =	wrdreg $0xFFFFFFFF  }
0xa8: {  	s28 =	simm.s32 $_size_execute0_lowered;
	s4 =	sadd.s32 s4, s5;
	[dreg:$0x0] =	wrdreg $0x0  }
0xa9: {  	s5 =	sshll.u32 s28, $0x1;
	[dreg:$0x2] =	wrdreg s4  }
0xaa: {  	[dreg:$0x3] =	wrdreg s5  }
0xab: {  	[dreg:$0x4] =	wrdreg $0xC0  }
0xac: {  	_ =	task [dreg:s8], $0x5FFFF  }
0xad: {  	[dreg:$0x1] =	wrdreg $0xFFFFFFFF  }
0xae: {  	[dreg:$0x0] =	wrdreg $0x60  }
0xaf: {  	[dreg:$0x2] =	wrdreg s2  }
0xb0: {  	[dreg:$0x3] =	wrdreg s19  }
0xb1: {  	[dreg:$0x4] =	wrdreg $0x9  }
0xb2: {  	_ =	task.clear_ibuf [dreg:s8], $0x5FFFF;
	_ =	strace $0x90000046  }
0xb3: {  	s29 =	simm.s32 $0x9;
	_ =	strace $0x80000048  }
0xb4: {  	_ =	swait.ge [sflag:s29], $0x1  }
0xb5: {  	[sflag:s29] =	ssyncadd.s32 $0xFFFFFFFF  }
0xb6: {  	_ =	strace $0x90000048  }
0xb7: {  	_ =	sfence  }
0xb8: {  	s30 =	sld [smem:$0x0];
	_ =	sdelay $0x2  }
0xb9: {  	s31 =	sshll.u32 s1, $0xD;
	s1 =	sshrl.u32 s1, $0x2  }
0xba: {  	s3 =	sand.u32 $0x4000, s31;
	s1 =	sadd.s32 s1, s30  }
0xbb: {  	s0 =	sor.u32 s3, s0;
	s1 =	sshll.u32 s1, $0x11  }
0xbc: {  	s0 =	sor.u32 s1, s0  }
0xbd: {  	s0 =	sadd.s32 $0x8F2B, s0  }
0xbe: {  	[sflag:s0] =	ssyncadd.remote.s32 $0x1  }
0xbf: {  	_ =	sfence.sel $0xFFFF  }
0xc0: {  	[dreg:$0x0] =	wrdreg $0xFFFFFFFF;
	(pc) =	sbr.abs _section_cstart, $3  }
0xc1: {  	[dreg:$0x1] =	wrdreg $0xFFFFFFFF  }
0xc2: {  	_ =	task.clear_ibuf [dreg:s8], $0x2FFFF;
	_ =	strace $0x9FFFFFFF  }
0xc3: {  	(tm) =	ssettm $0x7FFFFFFF  }
tec
execute0_lowered:
.L_overlay_start_1:
0x0: {  	(tag) =	ssettag $0x1  }
0x1: {  	s0 =	rddreg [dreg:$0x0]  }
0x2: {  	s1 =	rddreg [dreg:$0x1]  }
0x3: {  	s2 =	simm.s32 $0x0;
	s3 =	srdreg.scid;
	s5 =	stileid.u32  }
0x4: {  	p0 =	por $0x0, $0x0;
	[smem:$0x7FF] =	sst s2;
	s3 =	sand.u32 $0x1, s3  }
0x5: {  	s5 =	sshll.u32 s5, $0xF;
	s4 =	ssub.s32 $0x2, s3;
	s3 =	sshll.u32 s3, $0x13  }
0x6: {  	_ =	strace $0x80000047;
	s6 =	sshrl.u32 s4, $0x1;
	s3 =	sor.u32 s5, s3  }
0x7: {  	s4 =	ssub.s32 s4, s6;
	s5 =	sadd.s32 s0, s3;
	s12 =	sor.u32 $0x2000, s3  }
0x8: {  	s28 =	sadd.s32 s1, s3;
	s14 =	sor.u32 $0x3C00, s3;
	s15 =	sor.u32 $0x5C00, s3  }
0x9: {  	s3 =	sor.u32 $0x7800, s3;
	[dreg:$0x3] =	wrdreg s5;
	s13 =	sadd.s32 s0, s12  }
0xa: {  	s29 =	sadd.s32 $0x100000, s28;
	s30 =	sadd.s32 $0x200000, s28;
	s31 =	sadd.s32 $0x300000, s28  }
0xb: {  	s21 =	sadd.s32 s0, s14;
	s22 =	sadd.s32 s1, s12;
	s23 =	sadd.s32 $0x102000, s28  }
0xc: {  	s25 =	sadd.s32 $0x202000, s28;
	s26 =	sadd.s32 $0x302000, s28;
	s16 =	sadd.s32 s0, s15  }
0xd: {  	s17 =	sadd.s32 s1, s14;
	s18 =	sadd.s32 $0x103C00, s28;
	s19 =	sadd.s32 $0x203C00, s28  }
0xe: {  	s20 =	sadd.s32 $0x303C00, s28;
	s8 =	sadd.s32 s0, s3;
	s24 =	smax.u32 s4, $0x1  }
0xf: {  	s10 =	sadd.s32 $0x105C00, s28;
	s11 =	sadd.s32 $0x205C00, s28;
	p1 =	sne.s32 s24, $0x1  }
.Ltmp0:
0x10: {  	s9 =	sadd.s32 s1, s15;
	s12 =	sadd.s32 $0x305C00, s28;
	(pc) =	sbr.rel @!p1 .LBB2_3-.Ltmp0, $4  }
0x11: {  	s5 =	sadd.s32 s1, s3;
	s6 =	sadd.s32 $0x107800, s28;
	s7 =	sadd.s32 $0x207800, s28  }
0x12: {  	s14 =	simm.s32 $0x1;
	s15 =	simm.s32 $0x10000;
	s3 =	simm.s32 $0x3  }
0x13: {  	s4 =	simm.s32 $0x4;
	[dreg:$0x4] =	wrdreg s13;
	s0 =	sadd.s32 $0xFFFFFFFF, s24  }
0x14: {  	s13 =	sadd.s32 $0x307800, s28;
	s24 =	simm.s32 $0x2;
	s1 =	rddreg [dreg:$0x3]  }
0x15: {  	[tilespmem:s2], [sflag:$0x1] =	stream.linear.gather [hbm4b:s1+s2], $0x10000, $0x38;
	[tilespmem:$0x1E000] =	vst v63  }
0x16: {  	_ =	swait.ge [sflag:s14], $0x10000  }
0x17: {  	[sflag:s14] =	ssyncset.done $0x0  }
0x18: {  	s1 =	rddreg [dreg:$0x4];
	[sflag:s14] =	ssyncadd.s32 $0xFFFF0000  }
0x19: {  	[tilespmem:s15], [sflag:$0x2] =	stream.linear.gather [hbm4b:s1+s2], $0xE000, $0x38;
	[tilespmem:$0x1E000] =	vst v63  }
0x1a: {  	_ = 	snop  }
0x1b: {  	[hbm4b:s28+s2] =	stream.linear.scatter [tilespmem:s2], [sflag:$0x3], $0x10000, $0x38;
	[tilespmem:$0x1E000] =	vst v63  }
0x1c: {  	_ = 	snop  }
0x1d: {  	[hbm4b:s29+s2] =	stream.linear.scatter [tilespmem:s2], [sflag:$0x3], $0x10000, $0x38;
	[tilespmem:$0x1E000] =	vst v63  }
0x1e: {  	_ = 	snop  }
0x1f: {  	[hbm4b:s30+s2] =	stream.linear.scatter [tilespmem:s2], [sflag:$0x3], $0x10000, $0x38;
	[tilespmem:$0x1E000] =	vst v63  }
0x20: {  	_ = 	snop  }
0x21: {  	[hbm4b:s31+s2] =	stream.linear.scatter [tilespmem:s2], [sflag:$0x3], $0x10000, $0x38;
	[tilespmem:$0x1E000] =	vst v63  }
0x22: {  	_ =	swait.ge [sflag:s24], $0xE000  }
0x23: {  	[sflag:s24] =	ssyncset.done $0x0  }
0x24: {  	[sflag:s24] =	ssyncadd.s32 $0xFFFF2000  }
0x25: {  	_ =	swait.ge [sflag:s3], $0x10000  }
0x26: {  	[sflag:s3] =	ssyncset.done $0x0  }
0x27: {  	[sflag:s3] =	ssyncadd.s32 $0xFFFF0000  }
0x28: {  	_ =	swait.ge [sflag:s3], $0x10000  }
0x29: {  	[sflag:s3] =	ssyncset.done $0x0  }
0x2a: {  	[sflag:s3] =	ssyncadd.s32 $0xFFFF0000  }
0x2b: {  	_ =	swait.ge [sflag:s3], $0x10000  }
0x2c: {  	[sflag:s3] =	ssyncset.done $0x0  }
0x2d: {  	[sflag:s3] =	ssyncadd.s32 $0xFFFF0000  }
0x2e: {  	_ =	swait.ge [sflag:s3], $0x10000  }
0x2f: {  	[sflag:s3] =	ssyncset.done $0x0  }
0x30: {  	[sflag:s3] =	ssyncadd.s32 $0xFFFF0000  }
0x31: {  	[tilespmem:s2], [sflag:$0x1] =	stream.linear.gather [hbm4b:s21+s2], $0x10000, $0x38;
	[tilespmem:$0x1E000] =	vst v63  }
0x32: {  	_ = 	snop  }
0x33: {  	[hbm4b:s22+s2] =	stream.linear.scatter [tilespmem:s15], [sflag:$0x4], $0xE000, $0x38;
	[tilespmem:$0x1E000] =	vst v63  }
0x34: {  	_ = 	snop  }
0x35: {  	[hbm4b:s23+s2] =	stream.linear.scatter [tilespmem:s15], [sflag:$0x4], $0xE000, $0x38;
	[tilespmem:$0x1E000] =	vst v63  }
0x36: {  	_ = 	snop  }
0x37: {  	[hbm4b:s25+s2] =	stream.linear.scatter [tilespmem:s15], [sflag:$0x4], $0xE000, $0x38;
	[tilespmem:$0x1E000] =	vst v63  }
0x38: {  	_ = 	snop  }
0x39: {  	[hbm4b:s26+s2] =	stream.linear.scatter [tilespmem:s15], [sflag:$0x4], $0xE000, $0x38;
	[tilespmem:$0x1E000] =	vst v63  }
0x3a: {  	_ =	swait.ge [sflag:s14], $0x10000  }
0x3b: {  	[sflag:s14] =	ssyncset.done $0x0  }
0x3c: {  	[sflag:s14] =	ssyncadd.s32 $0xFFFF0000  }
0x3d: {  	_ =	swait.ge [sflag:s4], $0xE000  }
0x3e: {  	[sflag:s4] =	ssyncset.done $0x0  }
0x3f: {  	[sflag:s4] =	ssyncadd.s32 $0xFFFF2000  }
0x40: {  	_ =	swait.ge [sflag:s4], $0xE000  }
0x41: {  	[sflag:s4] =	ssyncset.done $0x0  }
0x42: {  	[sflag:s4] =	ssyncadd.s32 $0xFFFF2000  }
0x43: {  	_ =	swait.ge [sflag:s4], $0xE000  }
0x44: {  	[sflag:s4] =	ssyncset.done $0x0  }
0x45: {  	[sflag:s4] =	ssyncadd.s32 $0xFFFF2000  }
0x46: {  	_ =	swait.ge [sflag:s4], $0xE000  }
0x47: {  	[sflag:s4] =	ssyncset.done $0x0  }
0x48: {  	[sflag:s4] =	ssyncadd.s32 $0xFFFF2000  }
0x49: {  	[tilespmem:s15], [sflag:$0x2] =	stream.linear.gather [hbm4b:s16+s2], $0xE000, $0x38;
	[tilespmem:$0x1E000] =	vst v63  }
0x4a: {  	_ = 	snop  }
0x4b: {  	[hbm4b:s17+s2] =	stream.linear.scatter [tilespmem:s2], [sflag:$0x3], $0x10000, $0x38;
	[tilespmem:$0x1E000] =	vst v63  }
0x4c: {  	_ = 	snop  }
0x4d: {  	[hbm4b:s18+s2] =	stream.linear.scatter [tilespmem:s2], [sflag:$0x3], $0x10000, $0x38;
	[tilespmem:$0x1E000] =	vst v63  }
0x4e: {  	_ = 	snop  }
0x4f: {  	[hbm4b:s19+s2] =	stream.linear.scatter [tilespmem:s2], [sflag:$0x3], $0x10000, $0x38;
	[tilespmem:$0x1E000] =	vst v63  }
0x50: {  	_ = 	snop  }
0x51: {  	[hbm4b:s20+s2] =	stream.linear.scatter [tilespmem:s2], [sflag:$0x3], $0x10000, $0x38;
	[tilespmem:$0x1E000] =	vst v63  }
0x52: {  	_ =	swait.ge [sflag:s24], $0xE000  }
0x53: {  	[sflag:s24] =	ssyncset.done $0x0  }
0x54: {  	[sflag:s24] =	ssyncadd.s32 $0xFFFF2000  }
0x55: {  	_ =	swait.ge [sflag:s3], $0x10000  }
0x56: {  	[sflag:s3] =	ssyncset.done $0x0  }
0x57: {  	[sflag:s3] =	ssyncadd.s32 $0xFFFF0000  }
0x58: {  	_ =	swait.ge [sflag:s3], $0x10000  }
0x59: {  	[sflag:s3] =	ssyncset.done $0x0  }
0x5a: {  	[sflag:s3] =	ssyncadd.s32 $0xFFFF0000  }
0x5b: {  	_ =	swait.ge [sflag:s3], $0x10000  }
0x5c: {  	[sflag:s3] =	ssyncset.done $0x0  }
0x5d: {  	[sflag:s3] =	ssyncadd.s32 $0xFFFF0000  }
0x5e: {  	_ =	swait.ge [sflag:s3], $0x10000  }
0x5f: {  	[sflag:s3] =	ssyncset.done $0x0  }
0x60: {  	[sflag:s3] =	ssyncadd.s32 $0xFFFF0000  }
0x61: {  	[tilespmem:s2], [sflag:$0x1] =	stream.linear.gather [hbm4b:s8+s2], $0x4000, $0x38;
	[tilespmem:$0x1E000] =	vst v63  }
0x62: {  	_ = 	snop  }
0x63: {  	[hbm4b:s9+s2] =	stream.linear.scatter [tilespmem:s15], [sflag:$0x4], $0xE000, $0x38;
	[tilespmem:$0x1E000] =	vst v63  }
0x64: {  	_ = 	snop  }
0x65: {  	[hbm4b:s10+s2] =	stream.linear.scatter [tilespmem:s15], [sflag:$0x4], $0xE000, $0x38;
	[tilespmem:$0x1E000] =	vst v63  }
0x66: {  	_ = 	snop  }
0x67: {  	[hbm4b:s11+s2] =	stream.linear.scatter [tilespmem:s15], [sflag:$0x4], $0xE000, $0x38;
	[tilespmem:$0x1E000] =	vst v63  }
0x68: {  	_ = 	snop  }
0x69: {  	[hbm4b:s12+s2] =	stream.linear.scatter [tilespmem:s15], [sflag:$0x4], $0xE000, $0x38;
	[tilespmem:$0x1E000] =	vst v63  }
0x6a: {  	_ =	swait.ge [sflag:s14], $0x4000  }
0x6b: {  	[sflag:s14] =	ssyncset.done $0x0  }
0x6c: {  	[sflag:s14] =	ssyncadd.s32 $0xFFFFC000  }
0x6d: {  	[hbm4b:s5+s2] =	stream.linear.scatter [tilespmem:s2], [sflag:$0x3], $0x4000, $0x38;
	[tilespmem:$0x1E000] =	vst v63  }
0x6e: {  	_ = 	snop  }
0x6f: {  	[hbm4b:s6+s2] =	stream.linear.scatter [tilespmem:s2], [sflag:$0x3], $0x4000, $0x38;
	[tilespmem:$0x1E000] =	vst v63  }
0x70: {  	_ = 	snop  }
0x71: {  	[hbm4b:s7+s2] =	stream.linear.scatter [tilespmem:s2], [sflag:$0x3], $0x4000, $0x38;
	[tilespmem:$0x1E000] =	vst v63  }
0x72: {  	_ = 	snop  }
0x73: {  	[hbm4b:s13+s2] =	stream.linear.scatter [tilespmem:s2], [sflag:$0x3], $0x4000, $0x38;
	[tilespmem:$0x1E000] =	vst v63  }
0x74: {  	_ =	swait.ge [sflag:s4], $0xE000  }
0x75: {  	[sflag:s4] =	ssyncset.done $0x0  }
0x76: {  	[sflag:s4] =	ssyncadd.s32 $0xFFFF2000  }
0x77: {  	_ =	swait.ge [sflag:s4], $0xE000  }
0x78: {  	[sflag:s4] =	ssyncset.done $0x0  }
0x79: {  	[sflag:s4] =	ssyncadd.s32 $0xFFFF2000  }
0x7a: {  	_ =	swait.ge [sflag:s4], $0xE000  }
0x7b: {  	[sflag:s4] =	ssyncset.done $0x0  }
0x7c: {  	[sflag:s4] =	ssyncadd.s32 $0xFFFF2000  }
0x7d: {  	_ =	swait.ge [sflag:s4], $0xE000  }
0x7e: {  	[sflag:s4] =	ssyncset.done $0x0  }
0x7f: {  	[sflag:s4] =	ssyncadd.s32 $0xFFFF2000  }
0x80: {  	_ =	swait.ge [sflag:s3], $0x4000  }
0x81: {  	[sflag:s3] =	ssyncset.done $0x0  }
0x82: {  	[sflag:s3] =	ssyncadd.s32 $0xFFFFC000  }
0x83: {  	_ =	swait.ge [sflag:s3], $0x4000  }
0x84: {  	[sflag:s3] =	ssyncset.done $0x0  }
0x85: {  	p1 =	sne.s32 s0, $0x1;
	[sflag:s3] =	ssyncadd.s32 $0xFFFFC000  }
.Ltmp1:
0x86: {  	_ =	swait.ge [sflag:s3], $0x4000;
	(pc) =	sbr.rel @!p1 .LBB2_3-.Ltmp1, $4  }
0x87: {  	[sflag:s3] =	ssyncset.done $0x0  }
0x88: {  	[sflag:s3] =	ssyncadd.s32 $0xFFFFC000  }
0x89: {  	s0 =	sadd.s32 $0xFFFFFFFF, s0;
	_ =	swait.ge [sflag:s3], $0x4000  }
0x8a: {  	p0 =	por $0x1, $0x1;
	s1 =	rddreg [dreg:$0x3];
	[sflag:s3] =	ssyncset.done $0x0  }
.LBB2_2:
0x8b: {  	[sflag:s3] =	ssyncadd.s32 $0xFFFFC000  }
0x8c: {  	[tilespmem:s2], [sflag:$0x1] =	stream.linear.gather [hbm4b:s1+s2], $0x10000, $0x38;
	[tilespmem:$0x1E000] =	vst v63  }
0x8d: {  	_ =	swait.ge [sflag:s14], $0x10000  }
0x8e: {  	[sflag:s14] =	ssyncset.done $0x0  }
0x8f: {  	s1 =	rddreg [dreg:$0x4];
	[sflag:s14] =	ssyncadd.s32 $0xFFFF0000  }
0x90: {  	[tilespmem:s15], [sflag:$0x2] =	stream.linear.gather [hbm4b:s1+s2], $0xE000, $0x38;
	[tilespmem:$0x1E000] =	vst v63  }
0x91: {  	_ = 	snop  }
0x92: {  	[hbm4b:s28+s2] =	stream.linear.scatter [tilespmem:s2], [sflag:$0x3], $0x10000, $0x38;
	[tilespmem:$0x1E000] =	vst v63  }
0x93: {  	_ = 	snop  }
0x94: {  	[hbm4b:s29+s2] =	stream.linear.scatter [tilespmem:s2], [sflag:$0x3], $0x10000, $0x38;
	[tilespmem:$0x1E000] =	vst v63  }
0x95: {  	_ = 	snop  }
0x96: {  	[hbm4b:s30+s2] =	stream.linear.scatter [tilespmem:s2], [sflag:$0x3], $0x10000, $0x38;
	[tilespmem:$0x1E000] =	vst v63  }
0x97: {  	_ = 	snop  }
0x98: {  	[hbm4b:s31+s2] =	stream.linear.scatter [tilespmem:s2], [sflag:$0x3], $0x10000, $0x38;
	[tilespmem:$0x1E000] =	vst v63  }
0x99: {  	_ =	swait.ge [sflag:s24], $0xE000  }
0x9a: {  	[sflag:s24] =	ssyncset.done $0x0  }
0x9b: {  	[sflag:s24] =	ssyncadd.s32 $0xFFFF2000  }
0x9c: {  	_ =	swait.ge [sflag:s3], $0x10000  }
0x9d: {  	[sflag:s3] =	ssyncset.done $0x0  }
0x9e: {  	[sflag:s3] =	ssyncadd.s32 $0xFFFF0000  }
0x9f: {  	_ =	swait.ge [sflag:s3], $0x10000  }
0xa0: {  	[sflag:s3] =	ssyncset.done $0x0  }
0xa1: {  	[sflag:s3] =	ssyncadd.s32 $0xFFFF0000  }
0xa2: {  	_ =	swait.ge [sflag:s3], $0x10000  }
0xa3: {  	[sflag:s3] =	ssyncset.done $0x0  }
0xa4: {  	[sflag:s3] =	ssyncadd.s32 $0xFFFF0000  }
0xa5: {  	_ =	swait.ge [sflag:s3], $0x10000  }
0xa6: {  	[sflag:s3] =	ssyncset.done $0x0  }
0xa7: {  	[sflag:s3] =	ssyncadd.s32 $0xFFFF0000  }
0xa8: {  	[tilespmem:s2], [sflag:$0x1] =	stream.linear.gather [hbm4b:s21+s2], $0x10000, $0x38;
	[tilespmem:$0x1E000] =	vst v63  }
0xa9: {  	_ = 	snop  }
0xaa: {  	[hbm4b:s22+s2] =	stream.linear.scatter [tilespmem:s15], [sflag:$0x4], $0xE000, $0x38;
	[tilespmem:$0x1E000] =	vst v63  }
0xab: {  	_ = 	snop  }
0xac: {  	[hbm4b:s23+s2] =	stream.linear.scatter [tilespmem:s15], [sflag:$0x4], $0xE000, $0x38;
	[tilespmem:$0x1E000] =	vst v63  }
0xad: {  	_ = 	snop  }
0xae: {  	[hbm4b:s25+s2] =	stream.linear.scatter [tilespmem:s15], [sflag:$0x4], $0xE000, $0x38;
	[tilespmem:$0x1E000] =	vst v63  }
0xaf: {  	_ = 	snop  }
0xb0: {  	[hbm4b:s26+s2] =	stream.linear.scatter [tilespmem:s15], [sflag:$0x4], $0xE000, $0x38;
	[tilespmem:$0x1E000] =	vst v63  }
0xb1: {  	_ =	swait.ge [sflag:s14], $0x10000  }
0xb2: {  	[sflag:s14] =	ssyncset.done $0x0  }
0xb3: {  	[sflag:s14] =	ssyncadd.s32 $0xFFFF0000  }
0xb4: {  	_ =	swait.ge [sflag:s4], $0xE000  }
0xb5: {  	[sflag:s4] =	ssyncset.done $0x0  }
0xb6: {  	[sflag:s4] =	ssyncadd.s32 $0xFFFF2000  }
0xb7: {  	_ =	swait.ge [sflag:s4], $0xE000  }
0xb8: {  	[sflag:s4] =	ssyncset.done $0x0  }
0xb9: {  	[sflag:s4] =	ssyncadd.s32 $0xFFFF2000  }
0xba: {  	_ =	swait.ge [sflag:s4], $0xE000  }
0xbb: {  	[sflag:s4] =	ssyncset.done $0x0  }
0xbc: {  	[sflag:s4] =	ssyncadd.s32 $0xFFFF2000  }
0xbd: {  	_ =	swait.ge [sflag:s4], $0xE000  }
0xbe: {  	[sflag:s4] =	ssyncset.done $0x0  }
0xbf: {  	[sflag:s4] =	ssyncadd.s32 $0xFFFF2000  }
0xc0: {  	[tilespmem:s15], [sflag:$0x2] =	stream.linear.gather [hbm4b:s16+s2], $0xE000, $0x38;
	[tilespmem:$0x1E000] =	vst v63  }
0xc1: {  	_ = 	snop  }
0xc2: {  	[hbm4b:s17+s2] =	stream.linear.scatter [tilespmem:s2], [sflag:$0x3], $0x10000, $0x38;
	[tilespmem:$0x1E000] =	vst v63  }
0xc3: {  	_ = 	snop  }
0xc4: {  	[hbm4b:s18+s2] =	stream.linear.scatter [tilespmem:s2], [sflag:$0x3], $0x10000, $0x38;
	[tilespmem:$0x1E000] =	vst v63  }
0xc5: {  	_ = 	snop  }
0xc6: {  	[hbm4b:s19+s2] =	stream.linear.scatter [tilespmem:s2], [sflag:$0x3], $0x10000, $0x38;
	[tilespmem:$0x1E000] =	vst v63  }
0xc7: {  	_ = 	snop  }
0xc8: {  	[hbm4b:s20+s2] =	stream.linear.scatter [tilespmem:s2], [sflag:$0x3], $0x10000, $0x38;
	[tilespmem:$0x1E000] =	vst v63  }
0xc9: {  	_ =	swait.ge [sflag:s24], $0xE000  }
0xca: {  	[sflag:s24] =	ssyncset.done $0x0  }
0xcb: {  	[sflag:s24] =	ssyncadd.s32 $0xFFFF2000  }
0xcc: {  	_ =	swait.ge [sflag:s3], $0x10000  }
0xcd: {  	[sflag:s3] =	ssyncset.done $0x0  }
0xce: {  	[sflag:s3] =	ssyncadd.s32 $0xFFFF0000  }
0xcf: {  	_ =	swait.ge [sflag:s3], $0x10000  }
0xd0: {  	[sflag:s3] =	ssyncset.done $0x0  }
0xd1: {  	[sflag:s3] =	ssyncadd.s32 $0xFFFF0000  }
0xd2: {  	_ =	swait.ge [sflag:s3], $0x10000  }
0xd3: {  	[sflag:s3] =	ssyncset.done $0x0  }
0xd4: {  	[sflag:s3] =	ssyncadd.s32 $0xFFFF0000  }
0xd5: {  	_ =	swait.ge [sflag:s3], $0x10000  }
0xd6: {  	[sflag:s3] =	ssyncset.done $0x0  }
0xd7: {  	[sflag:s3] =	ssyncadd.s32 $0xFFFF0000  }
0xd8: {  	[tilespmem:s2], [sflag:$0x1] =	stream.linear.gather [hbm4b:s8+s2], $0x4000, $0x38;
	[tilespmem:$0x1E000] =	vst v63  }
0xd9: {  	_ = 	snop  }
0xda: {  	[hbm4b:s9+s2] =	stream.linear.scatter [tilespmem:s15], [sflag:$0x4], $0xE000, $0x38;
	[tilespmem:$0x1E000] =	vst v63  }
0xdb: {  	_ = 	snop  }
0xdc: {  	[hbm4b:s10+s2] =	stream.linear.scatter [tilespmem:s15], [sflag:$0x4], $0xE000, $0x38;
	[tilespmem:$0x1E000] =	vst v63  }
0xdd: {  	_ = 	snop  }
0xde: {  	[hbm4b:s11+s2] =	stream.linear.scatter [tilespmem:s15], [sflag:$0x4], $0xE000, $0x38;
	[tilespmem:$0x1E000] =	vst v63  }
0xdf: {  	_ = 	snop  }
0xe0: {  	[hbm4b:s12+s2] =	stream.linear.scatter [tilespmem:s15], [sflag:$0x4], $0xE000, $0x38;
	[tilespmem:$0x1E000] =	vst v63  }
0xe1: {  	_ =	swait.ge [sflag:s14], $0x4000  }
0xe2: {  	[sflag:s14] =	ssyncset.done $0x0  }
0xe3: {  	[sflag:s14] =	ssyncadd.s32 $0xFFFFC000  }
0xe4: {  	[hbm4b:s5+s2] =	stream.linear.scatter [tilespmem:s2], [sflag:$0x3], $0x4000, $0x38;
	[tilespmem:$0x1E000] =	vst v63  }
0xe5: {  	_ = 	snop  }
0xe6: {  	[hbm4b:s6+s2] =	stream.linear.scatter [tilespmem:s2], [sflag:$0x3], $0x4000, $0x38;
	[tilespmem:$0x1E000] =	vst v63  }
0xe7: {  	_ = 	snop  }
0xe8: {  	[hbm4b:s7+s2] =	stream.linear.scatter [tilespmem:s2], [sflag:$0x3], $0x4000, $0x38;
	[tilespmem:$0x1E000] =	vst v63  }
0xe9: {  	_ = 	snop  }
0xea: {  	[hbm4b:s13+s2] =	stream.linear.scatter [tilespmem:s2], [sflag:$0x3], $0x4000, $0x38;
	[tilespmem:$0x1E000] =	vst v63  }
0xeb: {  	_ =	swait.ge [sflag:s4], $0xE000  }
0xec: {  	[sflag:s4] =	ssyncset.done $0x0  }
0xed: {  	[sflag:s4] =	ssyncadd.s32 $0xFFFF2000  }
0xee: {  	_ =	swait.ge [sflag:s4], $0xE000  }
0xef: {  	[sflag:s4] =	ssyncset.done $0x0  }
0xf0: {  	[sflag:s4] =	ssyncadd.s32 $0xFFFF2000  }
0xf1: {  	_ =	swait.ge [sflag:s4], $0xE000  }
0xf2: {  	[sflag:s4] =	ssyncset.done $0x0  }
0xf3: {  	[sflag:s4] =	ssyncadd.s32 $0xFFFF2000  }
0xf4: {  	_ =	swait.ge [sflag:s4], $0xE000  }
0xf5: {  	[sflag:s4] =	ssyncset.done $0x0  }
0xf6: {  	[sflag:s4] =	ssyncadd.s32 $0xFFFF2000  }
0xf7: {  	_ =	swait.ge [sflag:s3], $0x4000  }
0xf8: {  	[sflag:s3] =	ssyncset.done $0x0  }
0xf9: {  	[sflag:s3] =	ssyncadd.s32 $0xFFFFC000  }
0xfa: {  	_ =	swait.ge [sflag:s3], $0x4000  }
0xfb: {  	[sflag:s3] =	ssyncset.done $0x0  }
0xfc: {  	p1 =	sne.s32 s0, $0x1;
	[sflag:s3] =	ssyncadd.s32 $0xFFFFC000  }
.Ltmp2:
0xfd: {  	_ =	swait.ge [sflag:s3], $0x4000;
	(pc) =	sbr.rel @p1 .LBB2_2-.Ltmp2, $4  }
0xfe: {  	[sflag:s3] =	ssyncset.done $0x0  }
0xff: {  	[sflag:s3] =	ssyncadd.s32 $0xFFFFC000  }
0x100: {  	_ =	swait.ge [sflag:s3], $0x4000  }
0x101: {  	s0 =	sadd.s32 $0xFFFFFFFF, s0;
	s1 =	rddreg [dreg:$0x3];
	[sflag:s3] =	ssyncset.done $0x0  }
.LBB2_3:
0x102: {  	[sflag:s3] =	ssyncadd.s32 @p0 $0xFFFFC000  }
0x103: {  	[tilespmem:s2], [sflag:$0x1] =	stream.linear.gather [hbm4b:s1+s2], $0x10000, $0x38;
	[tilespmem:$0x1E000] =	vst v63  }
0x104: {  	_ =	swait.ge [sflag:s14], $0x10000  }
0x105: {  	[sflag:s14] =	ssyncset.done $0x0  }
0x106: {  	s0 =	rddreg [dreg:$0x4];
	[sflag:s14] =	ssyncadd.s32 $0xFFFF0000  }
0x107: {  	[tilespmem:s15], [sflag:$0x2] =	stream.linear.gather [hbm4b:s0+s2], $0xE000, $0x38;
	[tilespmem:$0x1E000] =	vst v63  }
0x108: {  	_ = 	snop  }
0x109: {  	[hbm4b:s28+s2] =	stream.linear.scatter [tilespmem:s2], [sflag:$0x3], $0x10000, $0x38;
	[tilespmem:$0x1E000] =	vst v63  }
0x10a: {  	_ = 	snop  }
0x10b: {  	[hbm4b:s29+s2] =	stream.linear.scatter [tilespmem:s2], [sflag:$0x3], $0x10000, $0x38;
	[tilespmem:$0x1E000] =	vst v63  }
0x10c: {  	_ = 	snop  }
0x10d: {  	[hbm4b:s30+s2] =	stream.linear.scatter [tilespmem:s2], [sflag:$0x3], $0x10000, $0x38;
	[tilespmem:$0x1E000] =	vst v63  }
0x10e: {  	_ = 	snop  }
0x10f: {  	[hbm4b:s31+s2] =	stream.linear.scatter [tilespmem:s2], [sflag:$0x3], $0x10000, $0x38;
	[tilespmem:$0x1E000] =	vst v63  }
0x110: {  	_ =	swait.ge [sflag:s24], $0xE000  }
0x111: {  	[sflag:s24] =	ssyncset.done $0x0  }
0x112: {  	[sflag:s24] =	ssyncadd.s32 $0xFFFF2000  }
0x113: {  	_ =	swait.ge [sflag:s3], $0x10000  }
0x114: {  	[sflag:s3] =	ssyncset.done $0x0  }
0x115: {  	[sflag:s3] =	ssyncadd.s32 $0xFFFF0000  }
0x116: {  	_ =	swait.ge [sflag:s3], $0x10000  }
0x117: {  	[sflag:s3] =	ssyncset.done $0x0  }
0x118: {  	[sflag:s3] =	ssyncadd.s32 $0xFFFF0000  }
0x119: {  	_ =	swait.ge [sflag:s3], $0x10000  }
0x11a: {  	[sflag:s3] =	ssyncset.done $0x0  }
0x11b: {  	[sflag:s3] =	ssyncadd.s32 $0xFFFF0000  }
0x11c: {  	_ =	swait.ge [sflag:s3], $0x10000  }
0x11d: {  	[sflag:s3] =	ssyncset.done $0x0  }
0x11e: {  	[sflag:s3] =	ssyncadd.s32 $0xFFFF0000  }
0x11f: {  	[tilespmem:s2], [sflag:$0x1] =	stream.linear.gather [hbm4b:s21+s2], $0x10000, $0x38;
	[tilespmem:$0x1E000] =	vst v63  }
0x120: {  	_ = 	snop  }
0x121: {  	[hbm4b:s22+s2] =	stream.linear.scatter [tilespmem:s15], [sflag:$0x4], $0xE000, $0x38;
	[tilespmem:$0x1E000] =	vst v63  }
0x122: {  	_ = 	snop  }
0x123: {  	[hbm4b:s23+s2] =	stream.linear.scatter [tilespmem:s15], [sflag:$0x4], $0xE000, $0x38;
	[tilespmem:$0x1E000] =	vst v63  }
0x124: {  	_ = 	snop  }
0x125: {  	[hbm4b:s25+s2] =	stream.linear.scatter [tilespmem:s15], [sflag:$0x4], $0xE000, $0x38;
	[tilespmem:$0x1E000] =	vst v63  }
0x126: {  	_ = 	snop  }
0x127: {  	[hbm4b:s26+s2] =	stream.linear.scatter [tilespmem:s15], [sflag:$0x4], $0xE000, $0x38;
	[tilespmem:$0x1E000] =	vst v63  }
0x128: {  	_ =	swait.ge [sflag:s14], $0x10000  }
0x129: {  	[sflag:s14] =	ssyncset.done $0x0  }
0x12a: {  	[sflag:s14] =	ssyncadd.s32 $0xFFFF0000  }
0x12b: {  	_ =	swait.ge [sflag:s4], $0xE000  }
0x12c: {  	[sflag:s4] =	ssyncset.done $0x0  }
0x12d: {  	[sflag:s4] =	ssyncadd.s32 $0xFFFF2000  }
0x12e: {  	_ =	swait.ge [sflag:s4], $0xE000  }
0x12f: {  	[sflag:s4] =	ssyncset.done $0x0  }
0x130: {  	[sflag:s4] =	ssyncadd.s32 $0xFFFF2000  }
0x131: {  	_ =	swait.ge [sflag:s4], $0xE000  }
0x132: {  	[sflag:s4] =	ssyncset.done $0x0  }
0x133: {  	[sflag:s4] =	ssyncadd.s32 $0xFFFF2000  }
0x134: {  	_ =	swait.ge [sflag:s4], $0xE000  }
0x135: {  	[sflag:s4] =	ssyncset.done $0x0  }
0x136: {  	[sflag:s4] =	ssyncadd.s32 $0xFFFF2000  }
0x137: {  	[tilespmem:s15], [sflag:$0x2] =	stream.linear.gather [hbm4b:s16+s2], $0xE000, $0x38;
	[tilespmem:$0x1E000] =	vst v63  }
0x138: {  	_ = 	snop  }
0x139: {  	[hbm4b:s17+s2] =	stream.linear.scatter [tilespmem:s2], [sflag:$0x3], $0x10000, $0x38;
	[tilespmem:$0x1E000] =	vst v63  }
0x13a: {  	_ = 	snop  }
0x13b: {  	[hbm4b:s18+s2] =	stream.linear.scatter [tilespmem:s2], [sflag:$0x3], $0x10000, $0x38;
	[tilespmem:$0x1E000] =	vst v63  }
0x13c: {  	_ = 	snop  }
0x13d: {  	[hbm4b:s19+s2] =	stream.linear.scatter [tilespmem:s2], [sflag:$0x3], $0x10000, $0x38;
	[tilespmem:$0x1E000] =	vst v63  }
0x13e: {  	_ = 	snop  }
0x13f: {  	[hbm4b:s20+s2] =	stream.linear.scatter [tilespmem:s2], [sflag:$0x3], $0x10000, $0x38;
	[tilespmem:$0x1E000] =	vst v63  }
0x140: {  	_ =	swait.ge [sflag:s24], $0xE000  }
0x141: {  	[sflag:s24] =	ssyncset.done $0x0  }
0x142: {  	[sflag:s24] =	ssyncadd.s32 $0xFFFF2000  }
0x143: {  	_ =	swait.ge [sflag:s3], $0x10000  }
0x144: {  	[sflag:s3] =	ssyncset.done $0x0  }
0x145: {  	[sflag:s3] =	ssyncadd.s32 $0xFFFF0000  }
0x146: {  	_ =	swait.ge [sflag:s3], $0x10000  }
0x147: {  	[sflag:s3] =	ssyncset.done $0x0  }
0x148: {  	[sflag:s3] =	ssyncadd.s32 $0xFFFF0000  }
0x149: {  	_ =	swait.ge [sflag:s3], $0x10000  }
0x14a: {  	[sflag:s3] =	ssyncset.done $0x0  }
0x14b: {  	[sflag:s3] =	ssyncadd.s32 $0xFFFF0000  }
0x14c: {  	_ =	swait.ge [sflag:s3], $0x10000  }
0x14d: {  	[sflag:s3] =	ssyncset.done $0x0  }
0x14e: {  	[sflag:s3] =	ssyncadd.s32 $0xFFFF0000  }
0x14f: {  	[tilespmem:s2], [sflag:$0x1] =	stream.linear.gather [hbm4b:s8+s2], $0x4000, $0x38;
	[tilespmem:$0x1E000] =	vst v63  }
0x150: {  	_ = 	snop  }
0x151: {  	[hbm4b:s9+s2] =	stream.linear.scatter [tilespmem:s15], [sflag:$0x4], $0xE000, $0x38;
	[tilespmem:$0x1E000] =	vst v63  }
0x152: {  	_ = 	snop  }
0x153: {  	[hbm4b:s10+s2] =	stream.linear.scatter [tilespmem:s15], [sflag:$0x4], $0xE000, $0x38;
	[tilespmem:$0x1E000] =	vst v63  }
0x154: {  	_ = 	snop  }
0x155: {  	[hbm4b:s11+s2] =	stream.linear.scatter [tilespmem:s15], [sflag:$0x4], $0xE000, $0x38;
	[tilespmem:$0x1E000] =	vst v63  }
0x156: {  	_ = 	snop  }
0x157: {  	[hbm4b:s12+s2] =	stream.linear.scatter [tilespmem:s15], [sflag:$0x4], $0xE000, $0x38;
	[tilespmem:$0x1E000] =	vst v63  }
0x158: {  	_ =	swait.ge [sflag:s14], $0x4000  }
0x159: {  	[sflag:s14] =	ssyncset.done $0x0  }
0x15a: {  	[sflag:s14] =	ssyncadd.s32 $0xFFFFC000  }
0x15b: {  	[hbm4b:s5+s2] =	stream.linear.scatter [tilespmem:s2], [sflag:$0x3], $0x4000, $0x38;
	[tilespmem:$0x1E000] =	vst v63  }
0x15c: {  	_ = 	snop  }
0x15d: {  	[hbm4b:s6+s2] =	stream.linear.scatter [tilespmem:s2], [sflag:$0x3], $0x4000, $0x38;
	[tilespmem:$0x1E000] =	vst v63  }
0x15e: {  	_ = 	snop  }
0x15f: {  	[hbm4b:s7+s2] =	stream.linear.scatter [tilespmem:s2], [sflag:$0x3], $0x4000, $0x38;
	[tilespmem:$0x1E000] =	vst v63  }
0x160: {  	_ = 	snop  }
0x161: {  	[hbm4b:s13+s2] =	stream.linear.scatter [tilespmem:s2], [sflag:$0x3], $0x4000, $0x38;
	[tilespmem:$0x1E000] =	vst v63  }
0x162: {  	_ =	swait.ge [sflag:s4], $0xE000  }
0x163: {  	[sflag:s4] =	ssyncset.done $0x0  }
0x164: {  	[sflag:s4] =	ssyncadd.s32 $0xFFFF2000  }
0x165: {  	_ =	swait.ge [sflag:s4], $0xE000  }
0x166: {  	[sflag:s4] =	ssyncset.done $0x0  }
0x167: {  	[sflag:s4] =	ssyncadd.s32 $0xFFFF2000  }
0x168: {  	_ =	swait.ge [sflag:s4], $0xE000  }
0x169: {  	[sflag:s4] =	ssyncset.done $0x0  }
0x16a: {  	[sflag:s4] =	ssyncadd.s32 $0xFFFF2000  }
0x16b: {  	_ =	swait.ge [sflag:s4], $0xE000  }
0x16c: {  	[sflag:s4] =	ssyncset.done $0x0  }
0x16d: {  	[sflag:s4] =	ssyncadd.s32 $0xFFFF2000  }
0x16e: {  	_ =	swait.ge [sflag:s3], $0x4000  }
0x16f: {  	[sflag:s3] =	ssyncset.done $0x0  }
0x170: {  	[sflag:s3] =	ssyncadd.s32 $0xFFFFC000  }
0x171: {  	_ =	swait.ge [sflag:s3], $0x4000  }
0x172: {  	[sflag:s3] =	ssyncset.done $0x0  }
0x173: {  	[sflag:s3] =	ssyncadd.s32 $0xFFFFC000  }
0x174: {  	_ =	swait.ge [sflag:s3], $0x4000  }
0x175: {  	[sflag:s3] =	ssyncset.done $0x0  }
0x176: {  	[sflag:s3] =	ssyncadd.s32 $0xFFFFC000  }
0x177: {  	_ =	swait.ge [sflag:s3], $0x4000  }
0x178: {  	[sflag:s3] =	ssyncset.done $0x0  }
0x179: {  	[sflag:s3] =	ssyncadd.s32 $0xFFFFC000  }
0x17a: {  	_ =	sfence.sel $0x180000  }
0x17b: {  	[bflag:$0x0] =	sbarrier.arrive $0xFFFF  }
0x17c: {  	_ =	strace $0x90000047  }
0x17d: {  	s31 =	stileid.u32;
	[bflag:$0x2] =	sbarrier.arrive $0xFFFF  }
0x17e: {  	p0 =	sne.s32 s31, $0x0;
	s0 =	rddreg [dreg:$0x2]  }
0x17f: {  	s0 =	sadd.s32 @!p0 $0x100000, s0  }
0x180: {  	[sflag:s0] =	ssyncadd.tile.s32 @!p0 $0x1;
	_ =	shalt  }
.Lfunc_end2:
_tile_overlayer_lowered:
.L_overlay_start_2:
0x181: {  	(tag) =	ssettag $0x2  }
0x182: {  	s0 =	rddreg [dreg:$0x0];
	s2 =	stileid.u32  }
0x183: {  	s1 =	rddreg [dreg:$0x1];
	p0 =	sne.s32 s2, $0x0  }
0x184: {  	s3 =	rddreg [dreg:$0x2];
	[bflag:$0x3] =	sbarrier.arrive $0xFFFF;
	s2 =	simm.s32 @!p0 $0x1C05  }
0x185: {  	[timem:s3], [sflag:s2] =	dma.local @!p0 [hbm:s0], s1  }
0x186: {  	s0 =	simm.s32 @!p0 $0x5  }
0x187: {  	_ =	swait.ge @!p0 [sflag:s0], s1  }
0x188: {  	s1 =	ssub.s32 @!p0 $0x0, s1;
	[sflag:s0] =	ssyncset.done @!p0 $0x0  }
0x189: {  	[sflag:s0] =	ssyncadd.s32 @!p0 s1  }
0x18a: {  	[bflag:$0x3] =	sbarrier.arrive $0xFFFF  }
0x18b: {  	_ =	shalt  }

</sc_bundles>
